<compile_context>
chip_gen: v7x
topology: tpu7x:2x2x1
jax: 0.10.2.dev20260603
libtpu: 0.0.44.dev20260713+nightly
codegen_flags: <defaults>
</compile_context>

<pallas_src>
import functools

import jax
import jax.numpy as jnp
from jax import lax
from jax.experimental import pallas as pl
from jax.experimental.pallas import tpu as pltpu
from jax.experimental.pallas import tpu_sc as plsc

_NSC = 384
_MCC = 64
_NBUF = 2
_U = 8



def _tc_part_argmax(blk):
    m = blk.shape[0]
    mx = jnp.max(blk, axis=0)
    iota = lax.broadcasted_iota(jnp.int32, blk.shape, 0)
    idx = jnp.min(jnp.where(blk == mx[None, :], iota, m), axis=0)
    return mx, idx


def _tc_body(x1_ref, x2_ref, o_ref):
    m1 = x1_ref.shape[1]
    mx1, idx1 = _tc_part_argmax(x1_ref[0])
    mx2, idx2 = _tc_part_argmax(x2_ref[0])
    first_low = mx1 >= mx2
    o_ref[0, 0] = jnp.where(first_low, idx1, idx2 + m1)


def _tc_argmax(x, ntc):
    B, M, N = x.shape
    MH = M // 2
    out = pl.pallas_call(
        _tc_body,
        grid=(B,),
        in_specs=[
            pl.BlockSpec((1, MH, ntc), lambda b: (b, 0, 0)),
            pl.BlockSpec((1, MH, ntc), lambda b: (b, 1, 0)),
        ],
        out_specs=pl.BlockSpec((1, 1, ntc), lambda b: (b, 0, 0)),
        out_shape=jax.ShapeDtypeStruct((B, 1, ntc), jnp.int32),
    )(x, x)
    return out.reshape(B, ntc)



def _sc_argmax(x, nc0):
    B, M, N = x.shape
    nsc = N - nc0
    seg = M // 2
    nchunks = seg // _MCC
    ngroups = nsc // 16
    mesh = plsc.VectorSubcoreMesh(core_axis_name="c", subcore_axis_name="s")

    @functools.partial(
        pl.kernel,
        out_type=jax.ShapeDtypeStruct((B * nsc,), jnp.int32),
        mesh=mesh,
        scratch_types=[
            *[pltpu.VMEM((_MCC, nsc), jnp.float32) for _ in range(_NBUF)],
            pltpu.VMEM((nsc,), jnp.float32),
            pltpu.VMEM((nsc,), jnp.int32),
            pltpu.VMEM_SHARED((16, nsc), jnp.float32),
            pltpu.VMEM_SHARED((16, nsc), jnp.int32),
            pltpu.VMEM((2, nsc), jnp.float32),
            pltpu.VMEM((2, nsc), jnp.int32),
            pltpu.VMEM((nsc,), jnp.int32),
            *[pltpu.SemaphoreType.DMA for _ in range(_NBUF)],
            pltpu.SemaphoreType.DMA,
        ],
    )
    def sc_kernel(x_hbm, out_hbm, buf0, buf1, mx_v, ix_v, sh_mx, sh_ix,
                  tmp_mx, tmp_ix, res_ix, sem0, sem1, semm):
        bufs = (buf0, buf1)
        sems = (sem0, sem1)
        c = lax.axis_index("c")
        s = lax.axis_index("s")
        b = c * 8 + s // 2
        h = s % 2
        m0 = h * seg

        def start(ck, j):
            pltpu.async_copy(
                x_hbm.at[b, pl.ds(m0 + ck * _MCC, _MCC), pl.ds(nc0, nsc)],
                bufs[j],
                sems[j],
            )

        neg = jnp.full((16,), -jnp.inf, jnp.float32)
        zer = jnp.zeros((16,), jnp.int32)

        def initg(g, _):
            mx_v[pl.ds(g * 16, 16)] = neg
            ix_v[pl.ds(g * 16, 16)] = zer
            return 0

        lax.fori_loop(0, ngroups, initg, 0)

        for j in range(_NBUF):
            start(j, j)

        def chunk_body(buf, base):
            def groupf(g, _, buf=buf):
                sl = pl.ds(g * 16, 16)
                ca = mx_v[sl]
                ia = ix_v[sl]
                cb = jnp.full((16,), -jnp.inf, jnp.float32)
                ib = jnp.zeros((16,), jnp.int32)

                def step(i, st, buf=buf, sl=sl):
                    sca, sia, scb, sib, mv = st
                    r0 = i * _U
                    for d in range(0, _U, 2):
                        va = buf[r0 + d, sl]
                        vb = buf[r0 + d + 1, sl]
                        ga = va > sca
                        gb = vb > scb
                        sca = jnp.where(ga, va, sca)
                        sia = jnp.where(ga, mv + d, sia)
                        scb = jnp.where(gb, vb, scb)
                        sib = jnp.where(gb, mv + (d + 1), sib)
                    return sca, sia, scb, sib, mv + _U

                mv0 = jnp.broadcast_to(base, (16,)).astype(jnp.int32)
                ca, ia, cb, ib, _mv = lax.fori_loop(
                    0, _MCC // _U, step, (ca, ia, cb, ib, mv0)
                )
                take_b = (cb > ca) | ((cb == ca) & (ib < ia))
                mx_v[sl] = jnp.where(take_b, cb, ca)
                ix_v[sl] = jnp.where(take_b, ib, ia)
                return 0

            lax.fori_loop(0, ngroups, groupf, 0)

        def outer(k, _):
            for j in range(_NBUF):
                ck = k * _NBUF + j
                pltpu.make_async_copy(
                    x_hbm.at[b, pl.ds(m0, _MCC), pl.ds(nc0, nsc)],
                    bufs[j], sems[j],
                ).wait()
                chunk_body(bufs[j], m0 + ck * _MCC)

                @pl.when(ck + _NBUF < nchunks)
                def _prefetch(ck=ck, j=j):
                    start(ck + _NBUF, j)

            return 0

        lax.fori_loop(0, nchunks // _NBUF, outer, 0)

        pltpu.sync_copy(mx_v, sh_mx.at[s])
        pltpu.sync_copy(ix_v, sh_ix.at[s])
        plsc.subcore_barrier()

        @pl.when(h == 0)
        def _merge():
            pltpu.async_copy(sh_mx.at[s], tmp_mx.at[0], semm).wait()
            pltpu.async_copy(sh_mx.at[s + 1], tmp_mx.at[1], semm).wait()
            pltpu.async_copy(sh_ix.at[s], tmp_ix.at[0], semm).wait()
            pltpu.async_copy(sh_ix.at[s + 1], tmp_ix.at[1], semm).wait()

            def mergef(g, _):
                sl = pl.ds(g * 16, 16)
                cm = tmp_mx[0, sl]
                ci = tmp_ix[0, sl]
                vm = tmp_mx[1, sl]
                vi = tmp_ix[1, sl]
                gt = vm > cm
                res_ix[sl] = jnp.where(gt, vi, ci)
                return 0

            lax.fori_loop(0, ngroups, mergef, 0)
            pltpu.sync_copy(res_ix, out_hbm.at[pl.ds(b * nsc, nsc)])

    return sc_kernel(x).reshape(B, nsc)


def kernel(x):
    B, M, N = x.shape
    ntc = N - _NSC
    out_sc = _sc_argmax(x, ntc)
    out_tc = _tc_argmax(x, ntc)
    return jnp.concatenate([out_tc, out_sc], axis=1)

# --- scband reference (transcript-rebuilt; emitter-appended) ---
"""Pipeline reference for scband-model-new-66657892434245 (READ-ONLY COPY).

The authoritative reference and input builder live on the scoring server;
editing this copy changes nothing except your own understanding.
"""

import jax, jax.numpy as jnp
import numpy as np

def setup_inputs(seed: int = 0) -> dict:
    key = jax.random.key(seed)
    x = jax.random.normal(key, (16, 4096, 1024), dtype=jnp.float32)
    return {"x": x}

def reference(x):
    # Faithful to ModelNew with dim=1: argmax over dim=1 of a 3D tensor [B, M, N]
    # Triton kernel uses strict '>' comparison scanning m=0..M-1, which keeps the
    # FIRST occurrence of the max -> identical to jnp.argmax tie-breaking.
    return jnp.argmax(x, axis=1)

if __name__ == "__main__":
    import jax
    _d = setup_inputs()
    print(jax.jit(kernel)(*tuple(_d.values())))

</pallas_src>

<mosaic_0001>
#map = affine_map<(d0, d1) -> (0, 0, 0)>
#map1 = affine_map<(d0, d1) -> (0)>
module attributes {stable_mosaic.version = 14 : i64} {
  func.func @sc_kernel(%arg0: i32, %arg1: i32, %arg2: memref<16x4096x1024xf32, #tpu.memory_space<hbm>>, %arg3: memref<6144xi32, #tpu.memory_space<hbm>>, %arg4: memref<64x384xf32, #tpu.memory_space<vmem>>, %arg5: memref<64x384xf32, #tpu.memory_space<vmem>>, %arg6: memref<384xf32, #tpu.memory_space<vmem>>, %arg7: memref<384xi32, #tpu.memory_space<vmem>>, %arg8: memref<16x384xf32, #tpu.memory_space<vmem_shared>>, %arg9: memref<16x384xi32, #tpu.memory_space<vmem_shared>>, %arg10: memref<2x384xf32, #tpu.memory_space<vmem>>, %arg11: memref<2x384xi32, #tpu.memory_space<vmem>>, %arg12: memref<384xi32, #tpu.memory_space<vmem>>, %arg13: memref<!tpu.dma_semaphore, #tpu.memory_space<semaphore_mem>>, %arg14: memref<!tpu.dma_semaphore, #tpu.memory_space<semaphore_mem>>, %arg15: memref<!tpu.dma_semaphore, #tpu.memory_space<semaphore_mem>>) attributes {dimension_semantics = [#tpu.dimension_semantics<core_parallel>, #tpu.dimension_semantics<subcore_parallel>], iteration_bounds = array<i64: 2, 16>, scalar_prefetch = 0 : i64, scratch_operands = 12 : i64, tpu.core_type = #tpu.core_type<sc_vector_subcore>, window_params = [{transform_indices = #map}, {transform_indices = #map1}]} {
    %mul3A = arith.constant 8 : i32
    %mul3A_0 = arith.muli %arg0, %mul3A : i32
    %jit3A = arith.constant 2 : i32
    %div3A = arith.divsi %arg1, %jit3A : i32
    %sign3A = arith.constant 0 : i32
    %sign3A_1 = arith.cmpi sgt, %arg1, %sign3A : i32
    %sign3A_2 = arith.extui %sign3A_1 : i1 to i32
    %sign3A_3 = arith.constant 0 : i32
    %sign3A_4 = arith.cmpi slt, %arg1, %sign3A_3 : i32
    %sign3A_5 = arith.extui %sign3A_4 : i1 to i32
    %sign3A_6 = arith.subi %sign3A_2, %sign3A_5 : i32
    %sign3A_7 = arith.constant 0 : i32
    %sign3A_8 = arith.cmpi sgt, %jit3A, %sign3A_7 : i32
    %sign3A_9 = arith.extui %sign3A_8 : i1 to i32
    %sign3A_10 = arith.constant 0 : i32
    %sign3A_11 = arith.cmpi slt, %jit3A, %sign3A_10 : i32
    %sign3A_12 = arith.extui %sign3A_11 : i1 to i32
    %sign3A_13 = arith.subi %sign3A_9, %sign3A_12 : i32
    %ne3A = arith.cmpi ne, %sign3A_6, %sign3A_13 : i32
    %rem3A = arith.remsi %arg1, %jit3A : i32
    %ne3A_14 = arith.constant 0 : i32
    %ne3A_15 = arith.cmpi ne, %rem3A, %ne3A_14 : i32
    %and3A = arith.andi %ne3A, %ne3A_15 : i1
    %sub3A = arith.constant 1 : i32
    %sub3A_16 = arith.subi %div3A, %sub3A : i32
    %select_n3A = arith.select %and3A, %sub3A_16, %div3A : i32
    %add3A = arith.addi %mul3A_0, %select_n3A : i32
    %jit3A_17 = arith.constant 2 : i32
    %eq3A = arith.constant 0 : i32
    %eq3A_18 = arith.cmpi eq, %jit3A_17, %eq3A : i32
    %jit3A_19 = arith.constant 1 : i32
    %select_n3A_20 = arith.select %eq3A_18, %jit3A_19, %jit3A_17 : i32
    %rem3A_21 = arith.remsi %arg1, %select_n3A_20 : i32
    %ne3A_22 = arith.constant 0 : i32
    %ne3A_23 = arith.cmpi ne, %rem3A_21, %ne3A_22 : i32
    %lt3A = arith.constant 0 : i32
    %lt3A_24 = arith.cmpi slt, %rem3A_21, %lt3A : i32
    %lt3A_25 = arith.constant 0 : i32
    %lt3A_26 = arith.cmpi slt, %select_n3A_20, %lt3A_25 : i32
    %ne3A_27 = arith.xori %lt3A_24, %lt3A_26 : i1
    %and3A_28 = arith.andi %ne3A_27, %ne3A_23 : i1
    %add3A_29 = arith.addi %rem3A_21, %select_n3A_20 : i32
    %select_n3A_30 = arith.select %and3A_28, %add3A_29, %rem3A_21 : i32
    %mul3A_31 = arith.constant 2048 : i32
    %mul3A_32 = arith.muli %select_n3A_30, %mul3A_31 : i32
    %broadcast_in_dim3A = arith.constant 0xFF800000 : f32
    %broadcast_in_dim3A_33 = vector.broadcast %broadcast_in_dim3A : f32 to vector<16xf32>
    %broadcast_in_dim3A_34 = arith.constant 0 : i32
    %broadcast_in_dim3A_35 = vector.broadcast %broadcast_in_dim3A_34 : i32 to vector<16xi32>
    %scan3A = arith.constant 0 : i32
    %scan3A_36 = arith.constant 0 : i32
    %scan3A_37 = arith.constant 24 : i32
    %scan3A_38 = arith.addi %scan3A_36, %scan3A_37 : i32
    %scan3A_39 = arith.constant 1 : i32
    %scan3A_40 = scf.for %scan3A_67 = %scan3A_36 to %scan3A_38 step %scan3A_39 iter_args(%scan3A_68 = %scan3A) -> (i32)  : i32 {
      %mul3A_69 = arith.constant 16 : i32
      %mul3A_70 = arith.muli %scan3A_67, %mul3A_69 : i32
      %swap3A = arith.index_cast %mul3A_70 : i32 to index
      %swap3A_71 = tpu.vector_load %arg6[%swap3A] {strides = array<i32>} : memref<384xf32, #tpu.memory_space<vmem>>, vector<16xf32>,
      %swap3A_72 = vector.shape_cast %swap3A_71 : vector<16xf32> to vector<16xf32>
      %swap3A_73 = vector.shape_cast %broadcast_in_dim3A_33 : vector<16xf32> to vector<16xf32>
      tpu.vector_store %arg6[%swap3A], %swap3A_73 {strides = array<i32>} : memref<384xf32, #tpu.memory_space<vmem>>, vector<16xf32>,
      %mul3A_74 = arith.constant 16 : i32
      %mul3A_75 = arith.muli %scan3A_67, %mul3A_74 : i32
      %swap3A_76 = arith.index_cast %mul3A_75 : i32 to index
      %swap3A_77 = tpu.vector_load %arg7[%swap3A_76] {strides = array<i32>} : memref<384xi32, #tpu.memory_space<vmem>>, vector<16xi32>,
      %swap3A_78 = vector.shape_cast %swap3A_77 : vector<16xi32> to vector<16xi32>
      %swap3A_79 = vector.shape_cast %broadcast_in_dim3A_35 : vector<16xi32> to vector<16xi32>
      tpu.vector_store %arg7[%swap3A_76], %swap3A_79 {strides = array<i32>} : memref<384xi32, #tpu.memory_space<vmem>>, vector<16xi32>,
      %scan3A_80 = arith.constant 0 : i32
      scf.yield %scan3A_80 : i32
    }
    %scan3A_41 = arith.constant 24 : i32
    %add3A_42 = arith.constant 0 : i32
    %add3A_43 = arith.addi %mul3A_32, %add3A_42 : i32
    %dma_start3A = arith.constant 640 : i32
    %dma_start3A_44 = tpu.memref_slice %arg2[%add3A, %add3A_43, %dma_start3A] : memref<16x4096x1024xf32, #tpu.memory_space<hbm>> -> memref<1x64x384xf32, #tpu.memory_space<hbm>>
    %dma_start3A_45 = tpu.memref_squeeze %dma_start3A_44 : memref<1x64x384xf32, #tpu.memory_space<hbm>> -> memref<64x384xf32, #tpu.memory_space<hbm>>
    %dma_start3A_46 = arith.constant 640 : i32
    %dma_start3A_47 = tpu.memref_slice %arg2[%add3A, %add3A_43, %dma_start3A_46] : memref<16x4096x1024xf32, #tpu.memory_space<hbm>> -> memref<1x64x384xf32, #tpu.memory_space<hbm>>
    %dma_start3A_48 = tpu.memref_squeeze %dma_start3A_47 : memref<1x64x384xf32, #tpu.memory_space<hbm>> -> memref<64x384xf32, #tpu.memory_space<hbm>>
    tpu.enqueue_dma source(%dma_start3A_48 : memref<64x384xf32, #tpu.memory_space<hbm>>) target(%arg4 : memref<64x384xf32, #tpu.memory_space<vmem>>) target_semaphore(%arg13 : memref<!tpu.dma_semaphore, #tpu.memory_space<semaphore_mem>>)
    %add3A_49 = arith.constant 64 : i32
    %add3A_50 = arith.addi %mul3A_32, %add3A_49 : i32
    %dma_start3A_51 = arith.constant 640 : i32
    %dma_start3A_52 = tpu.memref_slice %arg2[%add3A, %add3A_50, %dma_start3A_51] : memref<16x4096x1024xf32, #tpu.memory_space<hbm>> -> memref<1x64x384xf32, #tpu.memory_space<hbm>>
    %dma_start3A_53 = tpu.memref_squeeze %dma_start3A_52 : memref<1x64x384xf32, #tpu.memory_space<hbm>> -> memref<64x384xf32, #tpu.memory_space<hbm>>
    %dma_start3A_54 = arith.constant 640 : i32
    %dma_start3A_55 = tpu.memref_slice %arg2[%add3A, %add3A_50, %dma_start3A_54] : memref<16x4096x1024xf32, #tpu.memory_space<hbm>> -> memref<1x64x384xf32, #tpu.memory_space<hbm>>
    %dma_start3A_56 = tpu.memref_squeeze %dma_start3A_55 : memref<1x64x384xf32, #tpu.memory_space<hbm>> -> memref<64x384xf32, #tpu.memory_space<hbm>>
    tpu.enqueue_dma source(%dma_start3A_56 : memref<64x384xf32, #tpu.memory_space<hbm>>) target(%arg5 : memref<64x384xf32, #tpu.memory_space<vmem>>) target_semaphore(%arg14 : memref<!tpu.dma_semaphore, #tpu.memory_space<semaphore_mem>>)
    %scan3A_57 = arith.constant 0 : i32
    %scan3A_58 = arith.constant 0 : i32
    %scan3A_59 = arith.constant 16 : i32
    %scan3A_60 = arith.addi %scan3A_58, %scan3A_59 : i32
    %scan3A_61 = arith.constant 1 : i32
    %scan3A_62 = scf.for %scan3A_67 = %scan3A_58 to %scan3A_60 step %scan3A_61 iter_args(%scan3A_68 = %scan3A_57) -> (i32)  : i32 {
      %mul3A_69 = arith.constant 2 : i32
      %mul3A_70 = arith.muli %scan3A_67, %mul3A_69 : i32
      %add3A_71 = arith.constant 0 : i32
      %add3A_72 = arith.addi %mul3A_70, %add3A_71 : i32
      %dma_wait3A = arith.constant 640 : i32
      %dma_wait3A_73 = tpu.memref_slice %arg2[%add3A, %mul3A_32, %dma_wait3A] : memref<16x4096x1024xf32, #tpu.memory_space<hbm>> -> memref<1x64x384xf32, #tpu.memory_space<hbm>>
      %dma_wait3A_74 = tpu.memref_squeeze %dma_wait3A_73 : memref<1x64x384xf32, #tpu.memory_space<hbm>> -> memref<64x384xf32, #tpu.memory_space<hbm>>
      %dma_wait3A_75 = arith.constant 640 : i32
      %dma_wait3A_76 = tpu.memref_slice %arg2[%add3A, %mul3A_32, %dma_wait3A_75] : memref<16x4096x1024xf32, #tpu.memory_space<hbm>> -> memref<1x64x384xf32, #tpu.memory_space<hbm>>
      %dma_wait3A_77 = tpu.memref_squeeze %dma_wait3A_76 : memref<1x64x384xf32, #tpu.memory_space<hbm>> -> memref<64x384xf32, #tpu.memory_space<hbm>>
      tpu.wait_dma2 semaphore(%arg13 : memref<!tpu.dma_semaphore, #tpu.memory_space<semaphore_mem>>) src(%dma_wait3A_77 : memref<64x384xf32, #tpu.memory_space<hbm>>) dst(%arg4 : memref<64x384xf32, #tpu.memory_space<vmem>>)
      %mul3A_78 = arith.constant 64 : i32
      %mul3A_79 = arith.muli %add3A_72, %mul3A_78 : i32
      %add3A_80 = arith.addi %mul3A_32, %mul3A_79 : i32
      %scan3A_81 = arith.constant 0 : i32
      %scan3A_82 = arith.constant 0 : i32
      %scan3A_83 = arith.constant 24 : i32
      %scan3A_84 = arith.addi %scan3A_82, %scan3A_83 : i32
      %scan3A_85 = arith.constant 1 : i32
      %scan3A_86 = scf.for %scan3A_123 = %scan3A_82 to %scan3A_84 step %scan3A_85 iter_args(%scan3A_124 = %scan3A_81) -> (i32)  : i32 {
        %mul3A_125 = arith.constant 16 : i32
        %mul3A_126 = arith.muli %scan3A_123, %mul3A_125 : i32
        %get3A = arith.index_cast %mul3A_126 : i32 to index
        %get3A_127 = tpu.vector_load %arg6[%get3A] {strides = array<i32>} : memref<384xf32, #tpu.memory_space<vmem>>, vector<16xf32>,
        %get3A_128 = vector.shape_cast %get3A_127 : vector<16xf32> to vector<16xf32>
        %get3A_129 = arith.index_cast %mul3A_126 : i32 to index
        %get3A_130 = tpu.vector_load %arg7[%get3A_129] {strides = array<i32>} : memref<384xi32, #tpu.memory_space<vmem>>, vector<16xi32>,
        %get3A_131 = vector.shape_cast %get3A_130 : vector<16xi32> to vector<16xi32>
        %broadcast_in_dim3A_132 = arith.constant 0xFF800000 : f32
        %broadcast_in_dim3A_133 = vector.broadcast %broadcast_in_dim3A_132 : f32 to vector<16xf32>
        %broadcast_in_dim3A_134 = arith.constant 0 : i32
        %broadcast_in_dim3A_135 = vector.broadcast %broadcast_in_dim3A_134 : i32 to vector<16xi32>
        %broadcast_in_dim3A_136 = vector.broadcast %add3A_80 : i32 to vector<16xi32>
        %scan3A_137 = arith.constant 0 : i32
        %scan3A_138 = arith.constant 8 : i32
        %scan3A_139 = arith.addi %scan3A_137, %scan3A_138 : i32
        %scan3A_140 = arith.constant 1 : i32
        %scan3A_141:5 = scf.for %scan3A_156 = %scan3A_137 to %scan3A_139 step %scan3A_140 iter_args(%scan3A_157 = %get3A_128, %scan3A_158 = %get3A_131, %scan3A_159 = %broadcast_in_dim3A_133, %scan3A_160 = %broadcast_in_dim3A_135, %scan3A_161 = %broadcast_in_dim3A_136) -> (vector<16xf32>, vector<16xi32>, vector<16xf32>, vector<16xi32>, vector<16xi32>)  : i32 {
          %mul3A_162 = arith.constant 8 : i32
          %mul3A_163 = arith.muli %scan3A_156, %mul3A_162 : i32
          %add3A_164 = arith.constant 0 : i32
          %add3A_165 = arith.addi %mul3A_163, %add3A_164 : i32
          %get3A_166 = arith.index_cast %add3A_165 : i32 to index
          %get3A_167 = arith.index_cast %mul3A_126 : i32 to index
          %get3A_168 = tpu.vector_load %arg4[%get3A_166, %get3A_167] {strides = array<i32>} : memref<64x384xf32, #tpu.memory_space<vmem>>, vector<1x16xf32>,
          %get3A_169 = vector.shape_cast %get3A_168 : vector<1x16xf32> to vector<16xf32>
          %add3A_170 = arith.constant 0 : i32
          %add3A_171 = arith.addi %mul3A_163, %add3A_170 : i32
          %add3A_172 = arith.constant 1 : i32
          %add3A_173 = arith.addi %add3A_171, %add3A_172 : i32
          %get3A_174 = arith.index_cast %add3A_173 : i32 to index
          %get3A_175 = arith.index_cast %mul3A_126 : i32 to index
          %get3A_176 = tpu.vector_load %arg4[%get3A_174, %get3A_175] {strides = array<i32>} : memref<64x384xf32, #tpu.memory_space<vmem>>, vector<1x16xf32>,
          %get3A_177 = vector.shape_cast %get3A_176 : vector<1x16xf32> to vector<16xf32>
          %gt3A_178 = arith.cmpf ogt, %get3A_169, %scan3A_157 : vector<16xf32>
          %gt3A_179 = arith.cmpf ogt, %get3A_177, %scan3A_159 : vector<16xf32>
          %select_n3A_180 = arith.select %gt3A_178, %get3A_169, %scan3A_157 : vector<16xi1>, vector<16xf32>
          %add3A_181 = arith.constant 0 : i32
          %add3A_182 = vector.broadcast %add3A_181 : i32 to vector<16xi32>
          %add3A_183 = arith.addi %scan3A_161, %add3A_182 : vector<16xi32>
          %select_n3A_184 = arith.select %gt3A_178, %add3A_183, %scan3A_158 : vector<16xi1>, vector<16xi32>
          %select_n3A_185 = arith.select %gt3A_179, %get3A_177, %scan3A_159 : vector<16xi1>, vector<16xf32>
          %add3A_186 = arith.constant 1 : i32
          %add3A_187 = vector.broadcast %add3A_186 : i32 to vector<16xi32>
          %add3A_188 = arith.addi %scan3A_161, %add3A_187 : vector<16xi32>
          %select_n3A_189 = arith.select %gt3A_179, %add3A_188, %scan3A_160 : vector<16xi1>, vector<16xi32>
          %add3A_190 = arith.constant 2 : i32
          %add3A_191 = arith.addi %mul3A_163, %add3A_190 : i32
          %get3A_192 = arith.index_cast %add3A_191 : i32 to index
          %get3A_193 = arith.index_cast %mul3A_126 : i32 to index
          %get3A_194 = tpu.vector_load %arg4[%get3A_192, %get3A_193] {strides = array<i32>} : memref<64x384xf32, #tpu.memory_space<vmem>>, vector<1x16xf32>,
          %get3A_195 = vector.shape_cast %get3A_194 : vector<1x16xf32> to vector<16xf32>
          %add3A_196 = arith.constant 2 : i32
          %add3A_197 = arith.addi %mul3A_163, %add3A_196 : i32
          %add3A_198 = arith.constant 1 : i32
          %add3A_199 = arith.addi %add3A_197, %add3A_198 : i32
          %get3A_200 = arith.index_cast %add3A_199 : i32 to index
          %get3A_201 = arith.index_cast %mul3A_126 : i32 to index
          %get3A_202 = tpu.vector_load %arg4[%get3A_200, %get3A_201] {strides = array<i32>} : memref<64x384xf32, #tpu.memory_space<vmem>>, vector<1x16xf32>,
          %get3A_203 = vector.shape_cast %get3A_202 : vector<1x16xf32> to vector<16xf32>
          %gt3A_204 = arith.cmpf ogt, %get3A_195, %select_n3A_180 : vector<16xf32>
          %gt3A_205 = arith.cmpf ogt, %get3A_203, %select_n3A_185 : vector<16xf32>
          %select_n3A_206 = arith.select %gt3A_204, %get3A_195, %select_n3A_180 : vector<16xi1>, vector<16xf32>
          %add3A_207 = arith.constant 2 : i32
          %add3A_208 = vector.broadcast %add3A_207 : i32 to vector<16xi32>
          %add3A_209 = arith.addi %scan3A_161, %add3A_208 : vector<16xi32>
          %select_n3A_210 = arith.select %gt3A_204, %add3A_209, %select_n3A_184 : vector<16xi1>, vector<16xi32>
          %select_n3A_211 = arith.select %gt3A_205, %get3A_203, %select_n3A_185 : vector<16xi1>, vector<16xf32>
          %add3A_212 = arith.constant 3 : i32
          %add3A_213 = vector.broadcast %add3A_212 : i32 to vector<16xi32>
          %add3A_214 = arith.addi %scan3A_161, %add3A_213 : vector<16xi32>
          %select_n3A_215 = arith.select %gt3A_205, %add3A_214, %select_n3A_189 : vector<16xi1>, vector<16xi32>
          %add3A_216 = arith.constant 4 : i32
          %add3A_217 = arith.addi %mul3A_163, %add3A_216 : i32
          %get3A_218 = arith.index_cast %add3A_217 : i32 to index
          %get3A_219 = arith.index_cast %mul3A_126 : i32 to index
          %get3A_220 = tpu.vector_load %arg4[%get3A_218, %get3A_219] {strides = array<i32>} : memref<64x384xf32, #tpu.memory_space<vmem>>, vector<1x16xf32>,
          %get3A_221 = vector.shape_cast %get3A_220 : vector<1x16xf32> to vector<16xf32>
          %add3A_222 = arith.constant 4 : i32
          %add3A_223 = arith.addi %mul3A_163, %add3A_222 : i32
          %add3A_224 = arith.constant 1 : i32
          %add3A_225 = arith.addi %add3A_223, %add3A_224 : i32
          %get3A_226 = arith.index_cast %add3A_225 : i32 to index
          %get3A_227 = arith.index_cast %mul3A_126 : i32 to index
          %get3A_228 = tpu.vector_load %arg4[%get3A_226, %get3A_227] {strides = array<i32>} : memref<64x384xf32, #tpu.memory_space<vmem>>, vector<1x16xf32>,
          %get3A_229 = vector.shape_cast %get3A_228 : vector<1x16xf32> to vector<16xf32>
          %gt3A_230 = arith.cmpf ogt, %get3A_221, %select_n3A_206 : vector<16xf32>
          %gt3A_231 = arith.cmpf ogt, %get3A_229, %select_n3A_211 : vector<16xf32>
          %select_n3A_232 = arith.select %gt3A_230, %get3A_221, %select_n3A_206 : vector<16xi1>, vector<16xf32>
          %add3A_233 = arith.constant 4 : i32
          %add3A_234 = vector.broadcast %add3A_233 : i32 to vector<16xi32>
          %add3A_235 = arith.addi %scan3A_161, %add3A_234 : vector<16xi32>
          %select_n3A_236 = arith.select %gt3A_230, %add3A_235, %select_n3A_210 : vector<16xi1>, vector<16xi32>
          %select_n3A_237 = arith.select %gt3A_231, %get3A_229, %select_n3A_211 : vector<16xi1>, vector<16xf32>
          %add3A_238 = arith.constant 5 : i32
          %add3A_239 = vector.broadcast %add3A_238 : i32 to vector<16xi32>
          %add3A_240 = arith.addi %scan3A_161, %add3A_239 : vector<16xi32>
          %select_n3A_241 = arith.select %gt3A_231, %add3A_240, %select_n3A_215 : vector<16xi1>, vector<16xi32>
          %add3A_242 = arith.constant 6 : i32
          %add3A_243 = arith.addi %mul3A_163, %add3A_242 : i32
          %get3A_244 = arith.index_cast %add3A_243 : i32 to index
          %get3A_245 = arith.index_cast %mul3A_126 : i32 to index
          %get3A_246 = tpu.vector_load %arg4[%get3A_244, %get3A_245] {strides = array<i32>} : memref<64x384xf32, #tpu.memory_space<vmem>>, vector<1x16xf32>,
          %get3A_247 = vector.shape_cast %get3A_246 : vector<1x16xf32> to vector<16xf32>
          %add3A_248 = arith.constant 6 : i32
          %add3A_249 = arith.addi %mul3A_163, %add3A_248 : i32
          %add3A_250 = arith.constant 1 : i32
          %add3A_251 = arith.addi %add3A_249, %add3A_250 : i32
          %get3A_252 = arith.index_cast %add3A_251 : i32 to index
          %get3A_253 = arith.index_cast %mul3A_126 : i32 to index
          %get3A_254 = tpu.vector_load %arg4[%get3A_252, %get3A_253] {strides = array<i32>} : memref<64x384xf32, #tpu.memory_space<vmem>>, vector<1x16xf32>,
          %get3A_255 = vector.shape_cast %get3A_254 : vector<1x16xf32> to vector<16xf32>
          %gt3A_256 = arith.cmpf ogt, %get3A_247, %select_n3A_232 : vector<16xf32>
          %gt3A_257 = arith.cmpf ogt, %get3A_255, %select_n3A_237 : vector<16xf32>
          %select_n3A_258 = arith.select %gt3A_256, %get3A_247, %select_n3A_232 : vector<16xi1>, vector<16xf32>
          %add3A_259 = arith.constant 6 : i32
          %add3A_260 = vector.broadcast %add3A_259 : i32 to vector<16xi32>
          %add3A_261 = arith.addi %scan3A_161, %add3A_260 : vector<16xi32>
          %select_n3A_262 = arith.select %gt3A_256, %add3A_261, %select_n3A_236 : vector<16xi1>, vector<16xi32>
          %select_n3A_263 = arith.select %gt3A_257, %get3A_255, %select_n3A_237 : vector<16xi1>, vector<16xf32>
          %add3A_264 = arith.constant 7 : i32
          %add3A_265 = vector.broadcast %add3A_264 : i32 to vector<16xi32>
          %add3A_266 = arith.addi %scan3A_161, %add3A_265 : vector<16xi32>
          %select_n3A_267 = arith.select %gt3A_257, %add3A_266, %select_n3A_241 : vector<16xi1>, vector<16xi32>
          %add3A_268 = arith.constant 8 : i32
          %add3A_269 = vector.broadcast %add3A_268 : i32 to vector<16xi32>
          %add3A_270 = arith.addi %scan3A_161, %add3A_269 : vector<16xi32>
          scf.yield %select_n3A_258, %select_n3A_262, %select_n3A_263, %select_n3A_267, %add3A_270 : vector<16xf32>, vector<16xi32>, vector<16xf32>, vector<16xi32>, vector<16xi32>
        }
        %scan3A_142 = arith.constant 8 : i32
        %gt3A = arith.cmpf ogt, %scan3A_141#2, %scan3A_141#0 : vector<16xf32>
        %eq3A_143 = arith.cmpf oeq, %scan3A_141#2, %scan3A_141#0 : vector<16xf32>
        %lt3A_144 = arith.cmpi slt, %scan3A_141#3, %scan3A_141#1 : vector<16xi32>
        %and3A_145 = arith.andi %eq3A_143, %lt3A_144 : vector<16xi1>
        %or3A = arith.ori %gt3A, %and3A_145 : vector<16xi1>
        %select_n3A_146 = arith.select %or3A, %scan3A_141#2, %scan3A_141#0 : vector<16xi1>, vector<16xf32>
        %swap3A = arith.index_cast %mul3A_126 : i32 to index
        %swap3A_147 = tpu.vector_load %arg6[%swap3A] {strides = array<i32>} : memref<384xf32, #tpu.memory_space<vmem>>, vector<16xf32>,
        %swap3A_148 = vector.shape_cast %swap3A_147 : vector<16xf32> to vector<16xf32>
        %swap3A_149 = vector.shape_cast %select_n3A_146 : vector<16xf32> to vector<16xf32>
        tpu.vector_store %arg6[%swap3A], %swap3A_149 {strides = array<i32>} : memref<384xf32, #tpu.memory_space<vmem>>, vector<16xf32>,
        %select_n3A_150 = arith.select %or3A, %scan3A_141#3, %scan3A_141#1 : vector<16xi1>, vector<16xi32>
        %swap3A_151 = arith.index_cast %mul3A_126 : i32 to index
        %swap3A_152 = tpu.vector_load %arg7[%swap3A_151] {strides = array<i32>} : memref<384xi32, #tpu.memory_space<vmem>>, vector<16xi32>,
        %swap3A_153 = vector.shape_cast %swap3A_152 : vector<16xi32> to vector<16xi32>
        %swap3A_154 = vector.shape_cast %select_n3A_150 : vector<16xi32> to vector<16xi32>
        tpu.vector_store %arg7[%swap3A_151], %swap3A_154 {strides = array<i32>} : memref<384xi32, #tpu.memory_space<vmem>>, vector<16xi32>,
        %scan3A_155 = arith.constant 0 : i32
        scf.yield %scan3A_155 : i32
      }
      %scan3A_87 = arith.constant 24 : i32
      %add3A_88 = arith.constant 2 : i32
      %add3A_89 = arith.addi %add3A_72, %add3A_88 : i32
      %lt3A_90 = arith.constant 32 : i32
      %lt3A_91 = arith.cmpi slt, %add3A_89, %lt3A_90 : i32
      %convert_element_type3A_92 = arith.extui %lt3A_91 : i1 to i32
      %cond3A_93 = arith.constant 0 : i32
      %cond3A_94 = arith.cmpi ne, %convert_element_type3A_92, %cond3A_93 : i32
      scf.if %cond3A_94 {
        %add3A_123 = arith.constant 2 : i32
        %add3A_124 = arith.addi %add3A_72, %add3A_123 : i32
        %mul3A_125 = arith.constant 64 : i32
        %mul3A_126 = arith.muli %add3A_124, %mul3A_125 : i32
        %add3A_127 = arith.addi %mul3A_32, %mul3A_126 : i32
        %dma_start3A_128 = arith.constant 640 : i32
        %dma_start3A_129 = tpu.memref_slice %arg2[%add3A, %add3A_127, %dma_start3A_128] : memref<16x4096x1024xf32, #tpu.memory_space<hbm>> -> memref<1x64x384xf32, #tpu.memory_space<hbm>>
        %dma_start3A_130 = tpu.memref_squeeze %dma_start3A_129 : memref<1x64x384xf32, #tpu.memory_space<hbm>> -> memref<64x384xf32, #tpu.memory_space<hbm>>
        %dma_start3A_131 = arith.constant 640 : i32
        %dma_start3A_132 = tpu.memref_slice %arg2[%add3A, %add3A_127, %dma_start3A_131] : memref<16x4096x1024xf32, #tpu.memory_space<hbm>> -> memref<1x64x384xf32, #tpu.memory_space<hbm>>
        %dma_start3A_133 = tpu.memref_squeeze %dma_start3A_132 : memref<1x64x384xf32, #tpu.memory_space<hbm>> -> memref<64x384xf32, #tpu.memory_space<hbm>>
        tpu.enqueue_dma source(%dma_start3A_133 : memref<64x384xf32, #tpu.memory_space<hbm>>) target(%arg4 : memref<64x384xf32, #tpu.memory_space<vmem>>) target_semaphore(%arg13 : memref<!tpu.dma_semaphore, #tpu.memory_space<semaphore_mem>>)
      } else {
      }
      %mul3A_95 = arith.constant 2 : i32
      %mul3A_96 = arith.muli %scan3A_67, %mul3A_95 : i32
      %add3A_97 = arith.constant 1 : i32
      %add3A_98 = arith.addi %mul3A_96, %add3A_97 : i32
      %dma_wait3A_99 = arith.constant 640 : i32
      %dma_wait3A_100 = tpu.memref_slice %arg2[%add3A, %mul3A_32, %dma_wait3A_99] : memref<16x4096x1024xf32, #tpu.memory_space<hbm>> -> memref<1x64x384xf32, #tpu.memory_space<hbm>>
      %dma_wait3A_101 = tpu.memref_squeeze %dma_wait3A_100 : memref<1x64x384xf32, #tpu.memory_space<hbm>> -> memref<64x384xf32, #tpu.memory_space<hbm>>
      %dma_wait3A_102 = arith.constant 640 : i32
      %dma_wait3A_103 = tpu.memref_slice %arg2[%add3A, %mul3A_32, %dma_wait3A_102] : memref<16x4096x1024xf32, #tpu.memory_space<hbm>> -> memref<1x64x384xf32, #tpu.memory_space<hbm>>
      %dma_wait3A_104 = tpu.memref_squeeze %dma_wait3A_103 : memref<1x64x384xf32, #tpu.memory_space<hbm>> -> memref<64x384xf32, #tpu.memory_space<hbm>>
      tpu.wait_dma2 semaphore(%arg14 : memref<!tpu.dma_semaphore, #tpu.memory_space<semaphore_mem>>) src(%dma_wait3A_104 : memref<64x384xf32, #tpu.memory_space<hbm>>) dst(%arg5 : memref<64x384xf32, #tpu.memory_space<vmem>>)
      %mul3A_105 = arith.constant 64 : i32
      %mul3A_106 = arith.muli %add3A_98, %mul3A_105 : i32
      %add3A_107 = arith.addi %mul3A_32, %mul3A_106 : i32
      %scan3A_108 = arith.constant 0 : i32
      %scan3A_109 = arith.constant 0 : i32
      %scan3A_110 = arith.constant 24 : i32
      %scan3A_111 = arith.addi %scan3A_109, %scan3A_110 : i32
      %scan3A_112 = arith.constant 1 : i32
      %scan3A_113 = scf.for %scan3A_123 = %scan3A_109 to %scan3A_111 step %scan3A_112 iter_args(%scan3A_124 = %scan3A_108) -> (i32)  : i32 {
        %mul3A_125 = arith.constant 16 : i32
        %mul3A_126 = arith.muli %scan3A_123, %mul3A_125 : i32
        %get3A = arith.index_cast %mul3A_126 : i32 to index
        %get3A_127 = tpu.vector_load %arg6[%get3A] {strides = array<i32>} : memref<384xf32, #tpu.memory_space<vmem>>, vector<16xf32>,
        %get3A_128 = vector.shape_cast %get3A_127 : vector<16xf32> to vector<16xf32>
        %get3A_129 = arith.index_cast %mul3A_126 : i32 to index
        %get3A_130 = tpu.vector_load %arg7[%get3A_129] {strides = array<i32>} : memref<384xi32, #tpu.memory_space<vmem>>, vector<16xi32>,
        %get3A_131 = vector.shape_cast %get3A_130 : vector<16xi32> to vector<16xi32>
        %broadcast_in_dim3A_132 = arith.constant 0xFF800000 : f32
        %broadcast_in_dim3A_133 = vector.broadcast %broadcast_in_dim3A_132 : f32 to vector<16xf32>
        %broadcast_in_dim3A_134 = arith.constant 0 : i32
        %broadcast_in_dim3A_135 = vector.broadcast %broadcast_in_dim3A_134 : i32 to vector<16xi32>
        %broadcast_in_dim3A_136 = vector.broadcast %add3A_107 : i32 to vector<16xi32>
        %scan3A_137 = arith.constant 0 : i32
        %scan3A_138 = arith.constant 8 : i32
        %scan3A_139 = arith.addi %scan3A_137, %scan3A_138 : i32
        %scan3A_140 = arith.constant 1 : i32
        %scan3A_141:5 = scf.for %scan3A_156 = %scan3A_137 to %scan3A_139 step %scan3A_140 iter_args(%scan3A_157 = %get3A_128, %scan3A_158 = %get3A_131, %scan3A_159 = %broadcast_in_dim3A_133, %scan3A_160 = %broadcast_in_dim3A_135, %scan3A_161 = %broadcast_in_dim3A_136) -> (vector<16xf32>, vector<16xi32>, vector<16xf32>, vector<16xi32>, vector<16xi32>)  : i32 {
          %mul3A_162 = arith.constant 8 : i32
          %mul3A_163 = arith.muli %scan3A_156, %mul3A_162 : i32
          %add3A_164 = arith.constant 0 : i32
          %add3A_165 = arith.addi %mul3A_163, %add3A_164 : i32
          %get3A_166 = arith.index_cast %add3A_165 : i32 to index
          %get3A_167 = arith.index_cast %mul3A_126 : i32 to index
          %get3A_168 = tpu.vector_load %arg5[%get3A_166, %get3A_167] {strides = array<i32>} : memref<64x384xf32, #tpu.memory_space<vmem>>, vector<1x16xf32>,
          %get3A_169 = vector.shape_cast %get3A_168 : vector<1x16xf32> to vector<16xf32>
          %add3A_170 = arith.constant 0 : i32
          %add3A_171 = arith.addi %mul3A_163, %add3A_170 : i32
          %add3A_172 = arith.constant 1 : i32
          %add3A_173 = arith.addi %add3A_171, %add3A_172 : i32
          %get3A_174 = arith.index_cast %add3A_173 : i32 to index
          %get3A_175 = arith.index_cast %mul3A_126 : i32 to index
          %get3A_176 = tpu.vector_load %arg5[%get3A_174, %get3A_175] {strides = array<i32>} : memref<64x384xf32, #tpu.memory_space<vmem>>, vector<1x16xf32>,
          %get3A_177 = vector.shape_cast %get3A_176 : vector<1x16xf32> to vector<16xf32>
          %gt3A_178 = arith.cmpf ogt, %get3A_169, %scan3A_157 : vector<16xf32>
          %gt3A_179 = arith.cmpf ogt, %get3A_177, %scan3A_159 : vector<16xf32>
          %select_n3A_180 = arith.select %gt3A_178, %get3A_169, %scan3A_157 : vector<16xi1>, vector<16xf32>
          %add3A_181 = arith.constant 0 : i32
          %add3A_182 = vector.broadcast %add3A_181 : i32 to vector<16xi32>
          %add3A_183 = arith.addi %scan3A_161, %add3A_182 : vector<16xi32>
          %select_n3A_184 = arith.select %gt3A_178, %add3A_183, %scan3A_158 : vector<16xi1>, vector<16xi32>
          %select_n3A_185 = arith.select %gt3A_179, %get3A_177, %scan3A_159 : vector<16xi1>, vector<16xf32>
          %add3A_186 = arith.constant 1 : i32
          %add3A_187 = vector.broadcast %add3A_186 : i32 to vector<16xi32>
          %add3A_188 = arith.addi %scan3A_161, %add3A_187 : vector<16xi32>
          %select_n3A_189 = arith.select %gt3A_179, %add3A_188, %scan3A_160 : vector<16xi1>, vector<16xi32>
          %add3A_190 = arith.constant 2 : i32
          %add3A_191 = arith.addi %mul3A_163, %add3A_190 : i32
          %get3A_192 = arith.index_cast %add3A_191 : i32 to index
          %get3A_193 = arith.index_cast %mul3A_126 : i32 to index
          %get3A_194 = tpu.vector_load %arg5[%get3A_192, %get3A_193] {strides = array<i32>} : memref<64x384xf32, #tpu.memory_space<vmem>>, vector<1x16xf32>,
          %get3A_195 = vector.shape_cast %get3A_194 : vector<1x16xf32> to vector<16xf32>
          %add3A_196 = arith.constant 2 : i32
          %add3A_197 = arith.addi %mul3A_163, %add3A_196 : i32
          %add3A_198 = arith.constant 1 : i32
          %add3A_199 = arith.addi %add3A_197, %add3A_198 : i32
          %get3A_200 = arith.index_cast %add3A_199 : i32 to index
          %get3A_201 = arith.index_cast %mul3A_126 : i32 to index
          %get3A_202 = tpu.vector_load %arg5[%get3A_200, %get3A_201] {strides = array<i32>} : memref<64x384xf32, #tpu.memory_space<vmem>>, vector<1x16xf32>,
          %get3A_203 = vector.shape_cast %get3A_202 : vector<1x16xf32> to vector<16xf32>
          %gt3A_204 = arith.cmpf ogt, %get3A_195, %select_n3A_180 : vector<16xf32>
          %gt3A_205 = arith.cmpf ogt, %get3A_203, %select_n3A_185 : vector<16xf32>
          %select_n3A_206 = arith.select %gt3A_204, %get3A_195, %select_n3A_180 : vector<16xi1>, vector<16xf32>
          %add3A_207 = arith.constant 2 : i32
          %add3A_208 = vector.broadcast %add3A_207 : i32 to vector<16xi32>
          %add3A_209 = arith.addi %scan3A_161, %add3A_208 : vector<16xi32>
          %select_n3A_210 = arith.select %gt3A_204, %add3A_209, %select_n3A_184 : vector<16xi1>, vector<16xi32>
          %select_n3A_211 = arith.select %gt3A_205, %get3A_203, %select_n3A_185 : vector<16xi1>, vector<16xf32>
          %add3A_212 = arith.constant 3 : i32
          %add3A_213 = vector.broadcast %add3A_212 : i32 to vector<16xi32>
          %add3A_214 = arith.addi %scan3A_161, %add3A_213 : vector<16xi32>
          %select_n3A_215 = arith.select %gt3A_205, %add3A_214, %select_n3A_189 : vector<16xi1>, vector<16xi32>
          %add3A_216 = arith.constant 4 : i32
          %add3A_217 = arith.addi %mul3A_163, %add3A_216 : i32
          %get3A_218 = arith.index_cast %add3A_217 : i32 to index
          %get3A_219 = arith.index_cast %mul3A_126 : i32 to index
          %get3A_220 = tpu.vector_load %arg5[%get3A_218, %get3A_219] {strides = array<i32>} : memref<64x384xf32, #tpu.memory_space<vmem>>, vector<1x16xf32>,
          %get3A_221 = vector.shape_cast %get3A_220 : vector<1x16xf32> to vector<16xf32>
          %add3A_222 = arith.constant 4 : i32
          %add3A_223 = arith.addi %mul3A_163, %add3A_222 : i32
          %add3A_224 = arith.constant 1 : i32
          %add3A_225 = arith.addi %add3A_223, %add3A_224 : i32
          %get3A_226 = arith.index_cast %add3A_225 : i32 to index
          %get3A_227 = arith.index_cast %mul3A_126 : i32 to index
          %get3A_228 = tpu.vector_load %arg5[%get3A_226, %get3A_227] {strides = array<i32>} : memref<64x384xf32, #tpu.memory_space<vmem>>, vector<1x16xf32>,
          %get3A_229 = vector.shape_cast %get3A_228 : vector<1x16xf32> to vector<16xf32>
          %gt3A_230 = arith.cmpf ogt, %get3A_221, %select_n3A_206 : vector<16xf32>
          %gt3A_231 = arith.cmpf ogt, %get3A_229, %select_n3A_211 : vector<16xf32>
          %select_n3A_232 = arith.select %gt3A_230, %get3A_221, %select_n3A_206 : vector<16xi1>, vector<16xf32>
          %add3A_233 = arith.constant 4 : i32
          %add3A_234 = vector.broadcast %add3A_233 : i32 to vector<16xi32>
          %add3A_235 = arith.addi %scan3A_161, %add3A_234 : vector<16xi32>
          %select_n3A_236 = arith.select %gt3A_230, %add3A_235, %select_n3A_210 : vector<16xi1>, vector<16xi32>
          %select_n3A_237 = arith.select %gt3A_231, %get3A_229, %select_n3A_211 : vector<16xi1>, vector<16xf32>
          %add3A_238 = arith.constant 5 : i32
          %add3A_239 = vector.broadcast %add3A_238 : i32 to vector<16xi32>
          %add3A_240 = arith.addi %scan3A_161, %add3A_239 : vector<16xi32>
          %select_n3A_241 = arith.select %gt3A_231, %add3A_240, %select_n3A_215 : vector<16xi1>, vector<16xi32>
          %add3A_242 = arith.constant 6 : i32
          %add3A_243 = arith.addi %mul3A_163, %add3A_242 : i32
          %get3A_244 = arith.index_cast %add3A_243 : i32 to index
          %get3A_245 = arith.index_cast %mul3A_126 : i32 to index
          %get3A_246 = tpu.vector_load %arg5[%get3A_244, %get3A_245] {strides = array<i32>} : memref<64x384xf32, #tpu.memory_space<vmem>>, vector<1x16xf32>,
          %get3A_247 = vector.shape_cast %get3A_246 : vector<1x16xf32> to vector<16xf32>
          %add3A_248 = arith.constant 6 : i32
          %add3A_249 = arith.addi %mul3A_163, %add3A_248 : i32
          %add3A_250 = arith.constant 1 : i32
          %add3A_251 = arith.addi %add3A_249, %add3A_250 : i32
          %get3A_252 = arith.index_cast %add3A_251 : i32 to index
          %get3A_253 = arith.index_cast %mul3A_126 : i32 to index
          %get3A_254 = tpu.vector_load %arg5[%get3A_252, %get3A_253] {strides = array<i32>} : memref<64x384xf32, #tpu.memory_space<vmem>>, vector<1x16xf32>,
          %get3A_255 = vector.shape_cast %get3A_254 : vector<1x16xf32> to vector<16xf32>
          %gt3A_256 = arith.cmpf ogt, %get3A_247, %select_n3A_232 : vector<16xf32>
          %gt3A_257 = arith.cmpf ogt, %get3A_255, %select_n3A_237 : vector<16xf32>
          %select_n3A_258 = arith.select %gt3A_256, %get3A_247, %select_n3A_232 : vector<16xi1>, vector<16xf32>
          %add3A_259 = arith.constant 6 : i32
          %add3A_260 = vector.broadcast %add3A_259 : i32 to vector<16xi32>
          %add3A_261 = arith.addi %scan3A_161, %add3A_260 : vector<16xi32>
          %select_n3A_262 = arith.select %gt3A_256, %add3A_261, %select_n3A_236 : vector<16xi1>, vector<16xi32>
          %select_n3A_263 = arith.select %gt3A_257, %get3A_255, %select_n3A_237 : vector<16xi1>, vector<16xf32>
          %add3A_264 = arith.constant 7 : i32
          %add3A_265 = vector.broadcast %add3A_264 : i32 to vector<16xi32>
          %add3A_266 = arith.addi %scan3A_161, %add3A_265 : vector<16xi32>
          %select_n3A_267 = arith.select %gt3A_257, %add3A_266, %select_n3A_241 : vector<16xi1>, vector<16xi32>
          %add3A_268 = arith.constant 8 : i32
          %add3A_269 = vector.broadcast %add3A_268 : i32 to vector<16xi32>
          %add3A_270 = arith.addi %scan3A_161, %add3A_269 : vector<16xi32>
          scf.yield %select_n3A_258, %select_n3A_262, %select_n3A_263, %select_n3A_267, %add3A_270 : vector<16xf32>, vector<16xi32>, vector<16xf32>, vector<16xi32>, vector<16xi32>
        }
        %scan3A_142 = arith.constant 8 : i32
        %gt3A = arith.cmpf ogt, %scan3A_141#2, %scan3A_141#0 : vector<16xf32>
        %eq3A_143 = arith.cmpf oeq, %scan3A_141#2, %scan3A_141#0 : vector<16xf32>
        %lt3A_144 = arith.cmpi slt, %scan3A_141#3, %scan3A_141#1 : vector<16xi32>
        %and3A_145 = arith.andi %eq3A_143, %lt3A_144 : vector<16xi1>
        %or3A = arith.ori %gt3A, %and3A_145 : vector<16xi1>
        %select_n3A_146 = arith.select %or3A, %scan3A_141#2, %scan3A_141#0 : vector<16xi1>, vector<16xf32>
        %swap3A = arith.index_cast %mul3A_126 : i32 to index
        %swap3A_147 = tpu.vector_load %arg6[%swap3A] {strides = array<i32>} : memref<384xf32, #tpu.memory_space<vmem>>, vector<16xf32>,
        %swap3A_148 = vector.shape_cast %swap3A_147 : vector<16xf32> to vector<16xf32>
        %swap3A_149 = vector.shape_cast %select_n3A_146 : vector<16xf32> to vector<16xf32>
        tpu.vector_store %arg6[%swap3A], %swap3A_149 {strides = array<i32>} : memref<384xf32, #tpu.memory_space<vmem>>, vector<16xf32>,
        %select_n3A_150 = arith.select %or3A, %scan3A_141#3, %scan3A_141#1 : vector<16xi1>, vector<16xi32>
        %swap3A_151 = arith.index_cast %mul3A_126 : i32 to index
        %swap3A_152 = tpu.vector_load %arg7[%swap3A_151] {strides = array<i32>} : memref<384xi32, #tpu.memory_space<vmem>>, vector<16xi32>,
        %swap3A_153 = vector.shape_cast %swap3A_152 : vector<16xi32> to vector<16xi32>
        %swap3A_154 = vector.shape_cast %select_n3A_150 : vector<16xi32> to vector<16xi32>
        tpu.vector_store %arg7[%swap3A_151], %swap3A_154 {strides = array<i32>} : memref<384xi32, #tpu.memory_space<vmem>>, vector<16xi32>,
        %scan3A_155 = arith.constant 0 : i32
        scf.yield %scan3A_155 : i32
      }
      %scan3A_114 = arith.constant 24 : i32
      %add3A_115 = arith.constant 2 : i32
      %add3A_116 = arith.addi %add3A_98, %add3A_115 : i32
      %lt3A_117 = arith.constant 32 : i32
      %lt3A_118 = arith.cmpi slt, %add3A_116, %lt3A_117 : i32
      %convert_element_type3A_119 = arith.extui %lt3A_118 : i1 to i32
      %cond3A_120 = arith.constant 0 : i32
      %cond3A_121 = arith.cmpi ne, %convert_element_type3A_119, %cond3A_120 : i32
      scf.if %cond3A_121 {
        %add3A_123 = arith.constant 2 : i32
        %add3A_124 = arith.addi %add3A_98, %add3A_123 : i32
        %mul3A_125 = arith.constant 64 : i32
        %mul3A_126 = arith.muli %add3A_124, %mul3A_125 : i32
        %add3A_127 = arith.addi %mul3A_32, %mul3A_126 : i32
        %dma_start3A_128 = arith.constant 640 : i32
        %dma_start3A_129 = tpu.memref_slice %arg2[%add3A, %add3A_127, %dma_start3A_128] : memref<16x4096x1024xf32, #tpu.memory_space<hbm>> -> memref<1x64x384xf32, #tpu.memory_space<hbm>>
        %dma_start3A_130 = tpu.memref_squeeze %dma_start3A_129 : memref<1x64x384xf32, #tpu.memory_space<hbm>> -> memref<64x384xf32, #tpu.memory_space<hbm>>
        %dma_start3A_131 = arith.constant 640 : i32
        %dma_start3A_132 = tpu.memref_slice %arg2[%add3A, %add3A_127, %dma_start3A_131] : memref<16x4096x1024xf32, #tpu.memory_space<hbm>> -> memref<1x64x384xf32, #tpu.memory_space<hbm>>
        %dma_start3A_133 = tpu.memref_squeeze %dma_start3A_132 : memref<1x64x384xf32, #tpu.memory_space<hbm>> -> memref<64x384xf32, #tpu.memory_space<hbm>>
        tpu.enqueue_dma source(%dma_start3A_133 : memref<64x384xf32, #tpu.memory_space<hbm>>) target(%arg5 : memref<64x384xf32, #tpu.memory_space<vmem>>) target_semaphore(%arg14 : memref<!tpu.dma_semaphore, #tpu.memory_space<semaphore_mem>>)
      } else {
      }
      %scan3A_122 = arith.constant 0 : i32
      scf.yield %scan3A_122 : i32
    }
    %scan3A_63 = arith.constant 16 : i32
    "tpu.region"() ({
      %run_scoped3A = tpu.sem_alloc : memref<!tpu.dma_semaphore, #tpu.memory_space<semaphore_mem>>
      %dma_start3A_67 = arith.constant 0 : i32
      %dma_start3A_68 = tpu.memref_slice %arg8[%arg1, %dma_start3A_67] : memref<16x384xf32, #tpu.memory_space<vmem_shared>> -> memref<1x384xf32, #tpu.memory_space<vmem_shared>>
      %dma_start3A_69 = tpu.memref_squeeze %dma_start3A_68 : memref<1x384xf32, #tpu.memory_space<vmem_shared>> -> memref<384xf32, #tpu.memory_space<vmem_shared>>
      %dma_start3A_70 = arith.constant 0 : i32
      %dma_start3A_71 = tpu.memref_slice %arg8[%arg1, %dma_start3A_70] : memref<16x384xf32, #tpu.memory_space<vmem_shared>> -> memref<1x384xf32, #tpu.memory_space<vmem_shared>>
      %dma_start3A_72 = tpu.memref_squeeze %dma_start3A_71 : memref<1x384xf32, #tpu.memory_space<vmem_shared>> -> memref<384xf32, #tpu.memory_space<vmem_shared>>
      tpu.enqueue_dma source(%arg6 : memref<384xf32, #tpu.memory_space<vmem>>) target(%dma_start3A_72 : memref<384xf32, #tpu.memory_space<vmem_shared>>) target_semaphore(%run_scoped3A : memref<!tpu.dma_semaphore, #tpu.memory_space<semaphore_mem>>)
      %dma_wait3A = arith.constant 0 : i32
      %dma_wait3A_73 = tpu.memref_slice %arg8[%arg1, %dma_wait3A] : memref<16x384xf32, #tpu.memory_space<vmem_shared>> -> memref<1x384xf32, #tpu.memory_space<vmem_shared>>
      %dma_wait3A_74 = tpu.memref_squeeze %dma_wait3A_73 : memref<1x384xf32, #tpu.memory_space<vmem_shared>> -> memref<384xf32, #tpu.memory_space<vmem_shared>>
      %dma_wait3A_75 = arith.constant 0 : i32
      %dma_wait3A_76 = tpu.memref_slice %arg8[%arg1, %dma_wait3A_75] : memref<16x384xf32, #tpu.memory_space<vmem_shared>> -> memref<1x384xf32, #tpu.memory_space<vmem_shared>>
      %dma_wait3A_77 = tpu.memref_squeeze %dma_wait3A_76 : memref<1x384xf32, #tpu.memory_space<vmem_shared>> -> memref<384xf32, #tpu.memory_space<vmem_shared>>
      tpu.wait_dma2 semaphore(%run_scoped3A : memref<!tpu.dma_semaphore, #tpu.memory_space<semaphore_mem>>) src(%arg6 : memref<384xf32, #tpu.memory_space<vmem>>) dst(%dma_wait3A_77 : memref<384xf32, #tpu.memory_space<vmem_shared>>)
      tpu.yield
    }) : () -> ()
    "tpu.region"() ({
      %run_scoped3A = tpu.sem_alloc : memref<!tpu.dma_semaphore, #tpu.memory_space<semaphore_mem>>
      %dma_start3A_67 = arith.constant 0 : i32
      %dma_start3A_68 = tpu.memref_slice %arg9[%arg1, %dma_start3A_67] : memref<16x384xi32, #tpu.memory_space<vmem_shared>> -> memref<1x384xi32, #tpu.memory_space<vmem_shared>>
      %dma_start3A_69 = tpu.memref_squeeze %dma_start3A_68 : memref<1x384xi32, #tpu.memory_space<vmem_shared>> -> memref<384xi32, #tpu.memory_space<vmem_shared>>
      %dma_start3A_70 = arith.constant 0 : i32
      %dma_start3A_71 = tpu.memref_slice %arg9[%arg1, %dma_start3A_70] : memref<16x384xi32, #tpu.memory_space<vmem_shared>> -> memref<1x384xi32, #tpu.memory_space<vmem_shared>>
      %dma_start3A_72 = tpu.memref_squeeze %dma_start3A_71 : memref<1x384xi32, #tpu.memory_space<vmem_shared>> -> memref<384xi32, #tpu.memory_space<vmem_shared>>
      tpu.enqueue_dma source(%arg7 : memref<384xi32, #tpu.memory_space<vmem>>) target(%dma_start3A_72 : memref<384xi32, #tpu.memory_space<vmem_shared>>) target_semaphore(%run_scoped3A : memref<!tpu.dma_semaphore, #tpu.memory_space<semaphore_mem>>)
      %dma_wait3A = arith.constant 0 : i32
      %dma_wait3A_73 = tpu.memref_slice %arg9[%arg1, %dma_wait3A] : memref<16x384xi32, #tpu.memory_space<vmem_shared>> -> memref<1x384xi32, #tpu.memory_space<vmem_shared>>
      %dma_wait3A_74 = tpu.memref_squeeze %dma_wait3A_73 : memref<1x384xi32, #tpu.memory_space<vmem_shared>> -> memref<384xi32, #tpu.memory_space<vmem_shared>>
      %dma_wait3A_75 = arith.constant 0 : i32
      %dma_wait3A_76 = tpu.memref_slice %arg9[%arg1, %dma_wait3A_75] : memref<16x384xi32, #tpu.memory_space<vmem_shared>> -> memref<1x384xi32, #tpu.memory_space<vmem_shared>>
      %dma_wait3A_77 = tpu.memref_squeeze %dma_wait3A_76 : memref<1x384xi32, #tpu.memory_space<vmem_shared>> -> memref<384xi32, #tpu.memory_space<vmem_shared>>
      tpu.wait_dma2 semaphore(%run_scoped3A : memref<!tpu.dma_semaphore, #tpu.memory_space<semaphore_mem>>) src(%arg7 : memref<384xi32, #tpu.memory_space<vmem>>) dst(%dma_wait3A_77 : memref<384xi32, #tpu.memory_space<vmem_shared>>)
      tpu.yield
    }) : () -> ()
    %barrier3A = arith.constant 0 : index
    tpu.barrier barrier_id(%barrier3A)
    %eq3A_64 = arith.constant 0 : i32
    %eq3A_65 = arith.cmpi eq, %select_n3A_30, %eq3A_64 : i32
    %convert_element_type3A = arith.extui %eq3A_65 : i1 to i32
    %cond3A = arith.constant 0 : i32
    %cond3A_66 = arith.cmpi ne, %convert_element_type3A, %cond3A : i32
    scf.if %cond3A_66 {
      %dma_start3A_67 = arith.constant 0 : i32
      %dma_start3A_68 = arith.constant 0 : i32
      %dma_start3A_69 = tpu.memref_slice %arg10[%dma_start3A_67, %dma_start3A_68] : memref<2x384xf32, #tpu.memory_space<vmem>> -> memref<1x384xf32, #tpu.memory_space<vmem>>
      %dma_start3A_70 = tpu.memref_squeeze %dma_start3A_69 : memref<1x384xf32, #tpu.memory_space<vmem>> -> memref<384xf32, #tpu.memory_space<vmem>>
      %dma_start3A_71 = arith.constant 0 : i32
      %dma_start3A_72 = tpu.memref_slice %arg8[%arg1, %dma_start3A_71] : memref<16x384xf32, #tpu.memory_space<vmem_shared>> -> memref<1x384xf32, #tpu.memory_space<vmem_shared>>
      %dma_start3A_73 = tpu.memref_squeeze %dma_start3A_72 : memref<1x384xf32, #tpu.memory_space<vmem_shared>> -> memref<384xf32, #tpu.memory_space<vmem_shared>>
      %dma_start3A_74 = arith.constant 0 : i32
      %dma_start3A_75 = tpu.memref_slice %arg10[%dma_start3A_67, %dma_start3A_74] : memref<2x384xf32, #tpu.memory_space<vmem>> -> memref<1x384xf32, #tpu.memory_space<vmem>>
      %dma_start3A_76 = tpu.memref_squeeze %dma_start3A_75 : memref<1x384xf32, #tpu.memory_space<vmem>> -> memref<384xf32, #tpu.memory_space<vmem>>
      %dma_start3A_77 = arith.constant 0 : i32
      %dma_start3A_78 = tpu.memref_slice %arg8[%arg1, %dma_start3A_77] : memref<16x384xf32, #tpu.memory_space<vmem_shared>> -> memref<1x384xf32, #tpu.memory_space<vmem_shared>>
      %dma_start3A_79 = tpu.memref_squeeze %dma_start3A_78 : memref<1x384xf32, #tpu.memory_space<vmem_shared>> -> memref<384xf32, #tpu.memory_space<vmem_shared>>
      tpu.enqueue_dma source(%dma_start3A_79 : memref<384xf32, #tpu.memory_space<vmem_shared>>) target(%dma_start3A_76 : memref<384xf32, #tpu.memory_space<vmem>>) target_semaphore(%arg15 : memref<!tpu.dma_semaphore, #tpu.memory_space<semaphore_mem>>)
      %dma_wait3A = arith.constant 0 : i32
      %dma_wait3A_80 = arith.constant 0 : i32
      %dma_wait3A_81 = tpu.memref_slice %arg10[%dma_wait3A, %dma_wait3A_80] : memref<2x384xf32, #tpu.memory_space<vmem>> -> memref<1x384xf32, #tpu.memory_space<vmem>>
      %dma_wait3A_82 = tpu.memref_squeeze %dma_wait3A_81 : memref<1x384xf32, #tpu.memory_space<vmem>> -> memref<384xf32, #tpu.memory_space<vmem>>
      %dma_wait3A_83 = arith.constant 0 : i32
      %dma_wait3A_84 = tpu.memref_slice %arg8[%arg1, %dma_wait3A_83] : memref<16x384xf32, #tpu.memory_space<vmem_shared>> -> memref<1x384xf32, #tpu.memory_space<vmem_shared>>
      %dma_wait3A_85 = tpu.memref_squeeze %dma_wait3A_84 : memref<1x384xf32, #tpu.memory_space<vmem_shared>> -> memref<384xf32, #tpu.memory_space<vmem_shared>>
      %dma_wait3A_86 = arith.constant 0 : i32
      %dma_wait3A_87 = tpu.memref_slice %arg10[%dma_wait3A, %dma_wait3A_86] : memref<2x384xf32, #tpu.memory_space<vmem>> -> memref<1x384xf32, #tpu.memory_space<vmem>>
      %dma_wait3A_88 = tpu.memref_squeeze %dma_wait3A_87 : memref<1x384xf32, #tpu.memory_space<vmem>> -> memref<384xf32, #tpu.memory_space<vmem>>
      %dma_wait3A_89 = arith.constant 0 : i32
      %dma_wait3A_90 = tpu.memref_slice %arg8[%arg1, %dma_wait3A_89] : memref<16x384xf32, #tpu.memory_space<vmem_shared>> -> memref<1x384xf32, #tpu.memory_space<vmem_shared>>
      %dma_wait3A_91 = tpu.memref_squeeze %dma_wait3A_90 : memref<1x384xf32, #tpu.memory_space<vmem_shared>> -> memref<384xf32, #tpu.memory_space<vmem_shared>>
      tpu.wait_dma2 semaphore(%arg15 : memref<!tpu.dma_semaphore, #tpu.memory_space<semaphore_mem>>) src(%dma_wait3A_91 : memref<384xf32, #tpu.memory_space<vmem_shared>>) dst(%dma_wait3A_88 : memref<384xf32, #tpu.memory_space<vmem>>)
      %add3A_92 = arith.constant 1 : i32
      %add3A_93 = arith.addi %arg1, %add3A_92 : i32
      %dma_start3A_94 = arith.constant 1 : i32
      %dma_start3A_95 = arith.constant 0 : i32
      %dma_start3A_96 = tpu.memref_slice %arg10[%dma_start3A_94, %dma_start3A_95] : memref<2x384xf32, #tpu.memory_space<vmem>> -> memref<1x384xf32, #tpu.memory_space<vmem>>
      %dma_start3A_97 = tpu.memref_squeeze %dma_start3A_96 : memref<1x384xf32, #tpu.memory_space<vmem>> -> memref<384xf32, #tpu.memory_space<vmem>>
      %dma_start3A_98 = arith.constant 0 : i32
      %dma_start3A_99 = tpu.memref_slice %arg8[%add3A_93, %dma_start3A_98] : memref<16x384xf32, #tpu.memory_space<vmem_shared>> -> memref<1x384xf32, #tpu.memory_space<vmem_shared>>
      %dma_start3A_100 = tpu.memref_squeeze %dma_start3A_99 : memref<1x384xf32, #tpu.memory_space<vmem_shared>> -> memref<384xf32, #tpu.memory_space<vmem_shared>>
      %dma_start3A_101 = arith.constant 0 : i32
      %dma_start3A_102 = tpu.memref_slice %arg10[%dma_start3A_94, %dma_start3A_101] : memref<2x384xf32, #tpu.memory_space<vmem>> -> memref<1x384xf32, #tpu.memory_space<vmem>>
      %dma_start3A_103 = tpu.memref_squeeze %dma_start3A_102 : memref<1x384xf32, #tpu.memory_space<vmem>> -> memref<384xf32, #tpu.memory_space<vmem>>
      %dma_start3A_104 = arith.constant 0 : i32
      %dma_start3A_105 = tpu.memref_slice %arg8[%add3A_93, %dma_start3A_104] : memref<16x384xf32, #tpu.memory_space<vmem_shared>> -> memref<1x384xf32, #tpu.memory_space<vmem_shared>>
      %dma_start3A_106 = tpu.memref_squeeze %dma_start3A_105 : memref<1x384xf32, #tpu.memory_space<vmem_shared>> -> memref<384xf32, #tpu.memory_space<vmem_shared>>
      tpu.enqueue_dma source(%dma_start3A_106 : memref<384xf32, #tpu.memory_space<vmem_shared>>) target(%dma_start3A_103 : memref<384xf32, #tpu.memory_space<vmem>>) target_semaphore(%arg15 : memref<!tpu.dma_semaphore, #tpu.memory_space<semaphore_mem>>)
      %dma_wait3A_107 = arith.constant 1 : i32
      %dma_wait3A_108 = arith.constant 0 : i32
      %dma_wait3A_109 = tpu.memref_slice %arg10[%dma_wait3A_107, %dma_wait3A_108] : memref<2x384xf32, #tpu.memory_space<vmem>> -> memref<1x384xf32, #tpu.memory_space<vmem>>
      %dma_wait3A_110 = tpu.memref_squeeze %dma_wait3A_109 : memref<1x384xf32, #tpu.memory_space<vmem>> -> memref<384xf32, #tpu.memory_space<vmem>>
      %dma_wait3A_111 = arith.constant 0 : i32
      %dma_wait3A_112 = tpu.memref_slice %arg8[%add3A_93, %dma_wait3A_111] : memref<16x384xf32, #tpu.memory_space<vmem_shared>> -> memref<1x384xf32, #tpu.memory_space<vmem_shared>>
      %dma_wait3A_113 = tpu.memref_squeeze %dma_wait3A_112 : memref<1x384xf32, #tpu.memory_space<vmem_shared>> -> memref<384xf32, #tpu.memory_space<vmem_shared>>
      %dma_wait3A_114 = arith.constant 0 : i32
      %dma_wait3A_115 = tpu.memref_slice %arg10[%dma_wait3A_107, %dma_wait3A_114] : memref<2x384xf32, #tpu.memory_space<vmem>> -> memref<1x384xf32, #tpu.memory_space<vmem>>
      %dma_wait3A_116 = tpu.memref_squeeze %dma_wait3A_115 : memref<1x384xf32, #tpu.memory_space<vmem>> -> memref<384xf32, #tpu.memory_space<vmem>>
      %dma_wait3A_117 = arith.constant 0 : i32
      %dma_wait3A_118 = tpu.memref_slice %arg8[%add3A_93, %dma_wait3A_117] : memref<16x384xf32, #tpu.memory_space<vmem_shared>> -> memref<1x384xf32, #tpu.memory_space<vmem_shared>>
      %dma_wait3A_119 = tpu.memref_squeeze %dma_wait3A_118 : memref<1x384xf32, #tpu.memory_space<vmem_shared>> -> memref<384xf32, #tpu.memory_space<vmem_shared>>
      tpu.wait_dma2 semaphore(%arg15 : memref<!tpu.dma_semaphore, #tpu.memory_space<semaphore_mem>>) src(%dma_wait3A_119 : memref<384xf32, #tpu.memory_space<vmem_shared>>) dst(%dma_wait3A_116 : memref<384xf32, #tpu.memory_space<vmem>>)
      %dma_start3A_120 = arith.constant 0 : i32
      %dma_start3A_121 = arith.constant 0 : i32
      %dma_start3A_122 = tpu.memref_slice %arg11[%dma_start3A_120, %dma_start3A_121] : memref<2x384xi32, #tpu.memory_space<vmem>> -> memref<1x384xi32, #tpu.memory_space<vmem>>
      %dma_start3A_123 = tpu.memref_squeeze %dma_start3A_122 : memref<1x384xi32, #tpu.memory_space<vmem>> -> memref<384xi32, #tpu.memory_space<vmem>>
      %dma_start3A_124 = arith.constant 0 : i32
      %dma_start3A_125 = tpu.memref_slice %arg9[%arg1, %dma_start3A_124] : memref<16x384xi32, #tpu.memory_space<vmem_shared>> -> memref<1x384xi32, #tpu.memory_space<vmem_shared>>
      %dma_start3A_126 = tpu.memref_squeeze %dma_start3A_125 : memref<1x384xi32, #tpu.memory_space<vmem_shared>> -> memref<384xi32, #tpu.memory_space<vmem_shared>>
      %dma_start3A_127 = arith.constant 0 : i32
      %dma_start3A_128 = tpu.memref_slice %arg11[%dma_start3A_120, %dma_start3A_127] : memref<2x384xi32, #tpu.memory_space<vmem>> -> memref<1x384xi32, #tpu.memory_space<vmem>>
      %dma_start3A_129 = tpu.memref_squeeze %dma_start3A_128 : memref<1x384xi32, #tpu.memory_space<vmem>> -> memref<384xi32, #tpu.memory_space<vmem>>
      %dma_start3A_130 = arith.constant 0 : i32
      %dma_start3A_131 = tpu.memref_slice %arg9[%arg1, %dma_start3A_130] : memref<16x384xi32, #tpu.memory_space<vmem_shared>> -> memref<1x384xi32, #tpu.memory_space<vmem_shared>>
      %dma_start3A_132 = tpu.memref_squeeze %dma_start3A_131 : memref<1x384xi32, #tpu.memory_space<vmem_shared>> -> memref<384xi32, #tpu.memory_space<vmem_shared>>
      tpu.enqueue_dma source(%dma_start3A_132 : memref<384xi32, #tpu.memory_space<vmem_shared>>) target(%dma_start3A_129 : memref<384xi32, #tpu.memory_space<vmem>>) target_semaphore(%arg15 : memref<!tpu.dma_semaphore, #tpu.memory_space<semaphore_mem>>)
      %dma_wait3A_133 = arith.constant 0 : i32
      %dma_wait3A_134 = arith.constant 0 : i32
      %dma_wait3A_135 = tpu.memref_slice %arg11[%dma_wait3A_133, %dma_wait3A_134] : memref<2x384xi32, #tpu.memory_space<vmem>> -> memref<1x384xi32, #tpu.memory_space<vmem>>
      %dma_wait3A_136 = tpu.memref_squeeze %dma_wait3A_135 : memref<1x384xi32, #tpu.memory_space<vmem>> -> memref<384xi32, #tpu.memory_space<vmem>>
      %dma_wait3A_137 = arith.constant 0 : i32
      %dma_wait3A_138 = tpu.memref_slice %arg9[%arg1, %dma_wait3A_137] : memref<16x384xi32, #tpu.memory_space<vmem_shared>> -> memref<1x384xi32, #tpu.memory_space<vmem_shared>>
      %dma_wait3A_139 = tpu.memref_squeeze %dma_wait3A_138 : memref<1x384xi32, #tpu.memory_space<vmem_shared>> -> memref<384xi32, #tpu.memory_space<vmem_shared>>
      %dma_wait3A_140 = arith.constant 0 : i32
      %dma_wait3A_141 = tpu.memref_slice %arg11[%dma_wait3A_133, %dma_wait3A_140] : memref<2x384xi32, #tpu.memory_space<vmem>> -> memref<1x384xi32, #tpu.memory_space<vmem>>
      %dma_wait3A_142 = tpu.memref_squeeze %dma_wait3A_141 : memref<1x384xi32, #tpu.memory_space<vmem>> -> memref<384xi32, #tpu.memory_space<vmem>>
      %dma_wait3A_143 = arith.constant 0 : i32
      %dma_wait3A_144 = tpu.memref_slice %arg9[%arg1, %dma_wait3A_143] : memref<16x384xi32, #tpu.memory_space<vmem_shared>> -> memref<1x384xi32, #tpu.memory_space<vmem_shared>>
      %dma_wait3A_145 = tpu.memref_squeeze %dma_wait3A_144 : memref<1x384xi32, #tpu.memory_space<vmem_shared>> -> memref<384xi32, #tpu.memory_space<vmem_shared>>
      tpu.wait_dma2 semaphore(%arg15 : memref<!tpu.dma_semaphore, #tpu.memory_space<semaphore_mem>>) src(%dma_wait3A_145 : memref<384xi32, #tpu.memory_space<vmem_shared>>) dst(%dma_wait3A_142 : memref<384xi32, #tpu.memory_space<vmem>>)
      %add3A_146 = arith.constant 1 : i32
      %add3A_147 = arith.addi %arg1, %add3A_146 : i32
      %dma_start3A_148 = arith.constant 1 : i32
      %dma_start3A_149 = arith.constant 0 : i32
      %dma_start3A_150 = tpu.memref_slice %arg11[%dma_start3A_148, %dma_start3A_149] : memref<2x384xi32, #tpu.memory_space<vmem>> -> memref<1x384xi32, #tpu.memory_space<vmem>>
      %dma_start3A_151 = tpu.memref_squeeze %dma_start3A_150 : memref<1x384xi32, #tpu.memory_space<vmem>> -> memref<384xi32, #tpu.memory_space<vmem>>
      %dma_start3A_152 = arith.constant 0 : i32
      %dma_start3A_153 = tpu.memref_slice %arg9[%add3A_147, %dma_start3A_152] : memref<16x384xi32, #tpu.memory_space<vmem_shared>> -> memref<1x384xi32, #tpu.memory_space<vmem_shared>>
      %dma_start3A_154 = tpu.memref_squeeze %dma_start3A_153 : memref<1x384xi32, #tpu.memory_space<vmem_shared>> -> memref<384xi32, #tpu.memory_space<vmem_shared>>
      %dma_start3A_155 = arith.constant 0 : i32
      %dma_start3A_156 = tpu.memref_slice %arg11[%dma_start3A_148, %dma_start3A_155] : memref<2x384xi32, #tpu.memory_space<vmem>> -> memref<1x384xi32, #tpu.memory_space<vmem>>
      %dma_start3A_157 = tpu.memref_squeeze %dma_start3A_156 : memref<1x384xi32, #tpu.memory_space<vmem>> -> memref<384xi32, #tpu.memory_space<vmem>>
      %dma_start3A_158 = arith.constant 0 : i32
      %dma_start3A_159 = tpu.memref_slice %arg9[%add3A_147, %dma_start3A_158] : memref<16x384xi32, #tpu.memory_space<vmem_shared>> -> memref<1x384xi32, #tpu.memory_space<vmem_shared>>
      %dma_start3A_160 = tpu.memref_squeeze %dma_start3A_159 : memref<1x384xi32, #tpu.memory_space<vmem_shared>> -> memref<384xi32, #tpu.memory_space<vmem_shared>>
      tpu.enqueue_dma source(%dma_start3A_160 : memref<384xi32, #tpu.memory_space<vmem_shared>>) target(%dma_start3A_157 : memref<384xi32, #tpu.memory_space<vmem>>) target_semaphore(%arg15 : memref<!tpu.dma_semaphore, #tpu.memory_space<semaphore_mem>>)
      %dma_wait3A_161 = arith.constant 1 : i32
      %dma_wait3A_162 = arith.constant 0 : i32
      %dma_wait3A_163 = tpu.memref_slice %arg11[%dma_wait3A_161, %dma_wait3A_162] : memref<2x384xi32, #tpu.memory_space<vmem>> -> memref<1x384xi32, #tpu.memory_space<vmem>>
      %dma_wait3A_164 = tpu.memref_squeeze %dma_wait3A_163 : memref<1x384xi32, #tpu.memory_space<vmem>> -> memref<384xi32, #tpu.memory_space<vmem>>
      %dma_wait3A_165 = arith.constant 0 : i32
      %dma_wait3A_166 = tpu.memref_slice %arg9[%add3A_147, %dma_wait3A_165] : memref<16x384xi32, #tpu.memory_space<vmem_shared>> -> memref<1x384xi32, #tpu.memory_space<vmem_shared>>
      %dma_wait3A_167 = tpu.memref_squeeze %dma_wait3A_166 : memref<1x384xi32, #tpu.memory_space<vmem_shared>> -> memref<384xi32, #tpu.memory_space<vmem_shared>>
      %dma_wait3A_168 = arith.constant 0 : i32
      %dma_wait3A_169 = tpu.memref_slice %arg11[%dma_wait3A_161, %dma_wait3A_168] : memref<2x384xi32, #tpu.memory_space<vmem>> -> memref<1x384xi32, #tpu.memory_space<vmem>>
      %dma_wait3A_170 = tpu.memref_squeeze %dma_wait3A_169 : memref<1x384xi32, #tpu.memory_space<vmem>> -> memref<384xi32, #tpu.memory_space<vmem>>
      %dma_wait3A_171 = arith.constant 0 : i32
      %dma_wait3A_172 = tpu.memref_slice %arg9[%add3A_147, %dma_wait3A_171] : memref<16x384xi32, #tpu.memory_space<vmem_shared>> -> memref<1x384xi32, #tpu.memory_space<vmem_shared>>
      %dma_wait3A_173 = tpu.memref_squeeze %dma_wait3A_172 : memref<1x384xi32, #tpu.memory_space<vmem_shared>> -> memref<384xi32, #tpu.memory_space<vmem_shared>>
      tpu.wait_dma2 semaphore(%arg15 : memref<!tpu.dma_semaphore, #tpu.memory_space<semaphore_mem>>) src(%dma_wait3A_173 : memref<384xi32, #tpu.memory_space<vmem_shared>>) dst(%dma_wait3A_170 : memref<384xi32, #tpu.memory_space<vmem>>)
      %scan3A_174 = arith.constant 0 : i32
      %scan3A_175 = arith.constant 0 : i32
      %scan3A_176 = arith.constant 24 : i32
      %scan3A_177 = arith.addi %scan3A_175, %scan3A_176 : i32
      %scan3A_178 = arith.constant 1 : i32
      %scan3A_179 = scf.for %scan3A_183 = %scan3A_175 to %scan3A_177 step %scan3A_178 iter_args(%scan3A_184 = %scan3A_174) -> (i32)  : i32 {
        %mul3A_185 = arith.constant 16 : i32
        %mul3A_186 = arith.muli %scan3A_183, %mul3A_185 : i32
        %get3A = arith.constant 0 : i32
        %get3A_187 = arith.index_cast %get3A : i32 to index
        %get3A_188 = arith.index_cast %mul3A_186 : i32 to index
        %get3A_189 = tpu.vector_load %arg10[%get3A_187, %get3A_188] {strides = array<i32>} : memref<2x384xf32, #tpu.memory_space<vmem>>, vector<1x16xf32>,
        %get3A_190 = vector.shape_cast %get3A_189 : vector<1x16xf32> to vector<16xf32>
        %get3A_191 = arith.constant 0 : i32
        %get3A_192 = arith.index_cast %get3A_191 : i32 to index
        %get3A_193 = arith.index_cast %mul3A_186 : i32 to index
        %get3A_194 = tpu.vector_load %arg11[%get3A_192, %get3A_193] {strides = array<i32>} : memref<2x384xi32, #tpu.memory_space<vmem>>, vector<1x16xi32>,
        %get3A_195 = vector.shape_cast %get3A_194 : vector<1x16xi32> to vector<16xi32>
        %get3A_196 = arith.constant 1 : i32
        %get3A_197 = arith.index_cast %get3A_196 : i32 to index
        %get3A_198 = arith.index_cast %mul3A_186 : i32 to index
        %get3A_199 = tpu.vector_load %arg10[%get3A_197, %get3A_198] {strides = array<i32>} : memref<2x384xf32, #tpu.memory_space<vmem>>, vector<1x16xf32>,
        %get3A_200 = vector.shape_cast %get3A_199 : vector<1x16xf32> to vector<16xf32>
        %get3A_201 = arith.constant 1 : i32
        %get3A_202 = arith.index_cast %get3A_201 : i32 to index
        %get3A_203 = arith.index_cast %mul3A_186 : i32 to index
        %get3A_204 = tpu.vector_load %arg11[%get3A_202, %get3A_203] {strides = array<i32>} : memref<2x384xi32, #tpu.memory_space<vmem>>, vector<1x16xi32>,
        %get3A_205 = vector.shape_cast %get3A_204 : vector<1x16xi32> to vector<16xi32>
        %gt3A = arith.cmpf ogt, %get3A_200, %get3A_190 : vector<16xf32>
        %select_n3A_206 = arith.select %gt3A, %get3A_205, %get3A_195 : vector<16xi1>, vector<16xi32>
        %swap3A = arith.index_cast %mul3A_186 : i32 to index
        %swap3A_207 = tpu.vector_load %arg12[%swap3A] {strides = array<i32>} : memref<384xi32, #tpu.memory_space<vmem>>, vector<16xi32>,
        %swap3A_208 = vector.shape_cast %swap3A_207 : vector<16xi32> to vector<16xi32>
        %swap3A_209 = vector.shape_cast %select_n3A_206 : vector<16xi32> to vector<16xi32>
        tpu.vector_store %arg12[%swap3A], %swap3A_209 {strides = array<i32>} : memref<384xi32, #tpu.memory_space<vmem>>, vector<16xi32>,
        %scan3A_210 = arith.constant 0 : i32
        scf.yield %scan3A_210 : i32
      }
      %scan3A_180 = arith.constant 24 : i32
      %mul3A_181 = arith.constant 384 : i32
      %mul3A_182 = arith.muli %add3A, %mul3A_181 : i32
      "tpu.region"() ({
        %run_scoped3A = tpu.sem_alloc : memref<!tpu.dma_semaphore, #tpu.memory_space<semaphore_mem>>
        %dma_start3A_183 = tpu.memref_slice %arg3[%mul3A_182] : memref<6144xi32, #tpu.memory_space<hbm>> -> memref<384xi32, #tpu.memory_space<hbm>>
        %dma_start3A_184 = tpu.memref_slice %arg3[%mul3A_182] : memref<6144xi32, #tpu.memory_space<hbm>> -> memref<384xi32, #tpu.memory_space<hbm>>
        tpu.enqueue_dma source(%arg12 : memref<384xi32, #tpu.memory_space<vmem>>) target(%dma_start3A_184 : memref<384xi32, #tpu.memory_space<hbm>>) target_semaphore(%run_scoped3A : memref<!tpu.dma_semaphore, #tpu.memory_space<semaphore_mem>>)
        %dma_wait3A_185 = tpu.memref_slice %arg3[%mul3A_182] : memref<6144xi32, #tpu.memory_space<hbm>> -> memref<384xi32, #tpu.memory_space<hbm>>
        %dma_wait3A_186 = tpu.memref_slice %arg3[%mul3A_182] : memref<6144xi32, #tpu.memory_space<hbm>> -> memref<384xi32, #tpu.memory_space<hbm>>
        tpu.wait_dma2 semaphore(%run_scoped3A : memref<!tpu.dma_semaphore, #tpu.memory_space<semaphore_mem>>) src(%arg12 : memref<384xi32, #tpu.memory_space<vmem>>) dst(%dma_wait3A_186 : memref<384xi32, #tpu.memory_space<hbm>>)
        tpu.yield
      }) : () -> ()
    } else {
    }
    return
  }
}

module attributes {stable_mosaic.version = 14 : i64} {
  func.func @_tc_body(%arg0: i32, %arg1: memref<1x2048x640xf32, #tpu.memory_space<vmem>>, %arg2: memref<1x2048x640xf32, #tpu.memory_space<vmem>>, %arg3: memref<1x1x640xi32, #tpu.memory_space<vmem>>) attributes {dimension_semantics = [#tpu.dimension_semantics<arbitrary>], iteration_bounds = array<i64: 16>, scalar_prefetch = 0 : i64, scratch_operands = 0 : i64, tpu.core_type = #tpu.core_type<tc>, window_params = [{transform_indices = @transform_0, window_bounds = array<i64: 1, 2048, 640>}, {transform_indices = @transform_1, window_bounds = array<i64: 1, 2048, 640>}, {transform_indices = @transform_2, window_bounds = array<i64: 1, 1, 640>}]} {
    %get3A = arith.constant 0 : index
    %get3A_0 = arith.constant 0 : index
    %get3A_1 = arith.constant 0 : index
    %get3A_2 = vector.load %arg1[%get3A, %get3A_0, %get3A_1] : memref<1x2048x640xf32, #tpu.memory_space<vmem>>, vector<1x2048x640xf32>
    %get3A_3 = vector.shape_cast %get3A_2 : vector<1x2048x640xf32> to vector<2048x640xf32>
    %reduce_max3A = arith.constant dense<0xFF800000> : vector<640xf32>
    %reduce_max3A_4 = vector.multi_reduction <maximumf>, %get3A_3, %reduce_max3A [0] : vector<2048x640xf32> to vector<640xf32>
    %iota3A = tpu.iota {dimensions = array<i32: 0>} : vector<2048x640xi32>
    %broadcast_in_dim3A = vector.shape_cast %reduce_max3A_4 : vector<640xf32> to vector<1x640xf32>
    %eq3A = vector.broadcast %broadcast_in_dim3A : vector<1x640xf32> to vector<2048x640xf32>
    %eq3A_5 = arith.cmpf oeq, %get3A_3, %eq3A : vector<2048x640xf32>
    %jit3A = arith.constant 2048 : i32
    %broadcast_in_dim3A_6 = vector.broadcast %jit3A : i32 to vector<2048x640xi32>
    %select_n3A = arith.select %eq3A_5, %iota3A, %broadcast_in_dim3A_6 : vector<2048x640xi1>, vector<2048x640xi32>
    %reduce_min3A = arith.constant dense<2147483647> : vector<640xi32>
    %reduce_min3A_7 = vector.multi_reduction <minsi>, %select_n3A, %reduce_min3A [0] : vector<2048x640xi32> to vector<640xi32>
    %get3A_8 = arith.constant 0 : index
    %get3A_9 = arith.constant 0 : index
    %get3A_10 = arith.constant 0 : index
    %get3A_11 = vector.load %arg2[%get3A_8, %get3A_9, %get3A_10] : memref<1x2048x640xf32, #tpu.memory_space<vmem>>, vector<1x2048x640xf32>
    %get3A_12 = vector.shape_cast %get3A_11 : vector<1x2048x640xf32> to vector<2048x640xf32>
    %reduce_max3A_13 = arith.constant dense<0xFF800000> : vector<640xf32>
    %reduce_max3A_14 = vector.multi_reduction <maximumf>, %get3A_12, %reduce_max3A_13 [0] : vector<2048x640xf32> to vector<640xf32>
    %iota3A_15 = tpu.iota {dimensions = array<i32: 0>} : vector<2048x640xi32>
    %broadcast_in_dim3A_16 = vector.shape_cast %reduce_max3A_14 : vector<640xf32> to vector<1x640xf32>
    %eq3A_17 = vector.broadcast %broadcast_in_dim3A_16 : vector<1x640xf32> to vector<2048x640xf32>
    %eq3A_18 = arith.cmpf oeq, %get3A_12, %eq3A_17 : vector<2048x640xf32>
    %jit3A_19 = arith.constant 2048 : i32
    %broadcast_in_dim3A_20 = vector.broadcast %jit3A_19 : i32 to vector<2048x640xi32>
    %select_n3A_21 = arith.select %eq3A_18, %iota3A_15, %broadcast_in_dim3A_20 : vector<2048x640xi1>, vector<2048x640xi32>
    %reduce_min3A_22 = arith.constant dense<2147483647> : vector<640xi32>
    %reduce_min3A_23 = vector.multi_reduction <minsi>, %select_n3A_21, %reduce_min3A_22 [0] : vector<2048x640xi32> to vector<640xi32>
    %ge3A = arith.cmpf oge, %reduce_max3A_4, %reduce_max3A_14 : vector<640xf32>
    %add3A = arith.constant 2048 : i32
    %add3A_24 = vector.broadcast %add3A : i32 to vector<640xi32>
    %add3A_25 = arith.addi %reduce_min3A_23, %add3A_24 : vector<640xi32>
    %select_n3A_26 = arith.select %ge3A, %reduce_min3A_7, %add3A_25 : vector<640xi1>, vector<640xi32>
    %swap3A = arith.constant 0 : index
    %swap3A_27 = arith.constant 0 : index
    %swap3A_28 = arith.constant 0 : index
    %swap3A_29 = vector.load %arg3[%swap3A, %swap3A_27, %swap3A_28] : memref<1x1x640xi32, #tpu.memory_space<vmem>>, vector<1x1x640xi32>
    %swap3A_30 = vector.shape_cast %swap3A_29 : vector<1x1x640xi32> to vector<640xi32>
    %swap3A_31 = vector.shape_cast %select_n3A_26 : vector<640xi32> to vector<1x1x640xi32>
    tpu.vector_store %arg3[%swap3A, %swap3A_27, %swap3A_28], %swap3A_31 {strides = array<i32>} : memref<1x1x640xi32, #tpu.memory_space<vmem>>, vector<1x1x640xi32>,
    return
  }
  func.func @transform_0(%arg0: i32) -> (i32, i32, i32) {
    %c0_i32 = arith.constant 0 : i32
    %c0_i32_0 = arith.constant 0 : i32
    %c0_i32_1 = arith.constant 0 : i32
    return %arg0, %c0_i32, %c0_i32_0 : i32, i32, i32
  }
  func.func @transform_1(%arg0: i32) -> (i32, i32, i32) {
    %c1_i32 = arith.constant 1 : i32
    %c0_i32 = arith.constant 0 : i32
    %c0_i32_0 = arith.constant 0 : i32
    return %arg0, %c1_i32, %c0_i32 : i32, i32, i32
  }
  func.func @transform_2(%arg0: i32) -> (i32, i32, i32) {
    %c0_i32 = arith.constant 0 : i32
    %c0_i32_0 = arith.constant 0 : i32
    %c0_i32_1 = arith.constant 0 : i32
    return %arg0, %c0_i32, %c0_i32_0 : i32, i32, i32
  }
}

</mosaic_0001>

<sc_bundles>
// kernel: kernel.4.cloned.1.call-start
scs
__scs_entry_jumppad:
0x0: {  	(pc) =	sbr.rel $0x88, $3  }
0x1: {  	(tag) =	ssettag $0x0;
	lr =	simm.s32 $0x1  }
0x2: {  	[smem:$0x3FA0] =	sst lr;
	_ =	strace $0xD0000000  }
0x3: {  	_ = 	snop  }
0x4: {  	_ = 	snop  }
0x5: {  	_ = 	snop  }
0x6: {  	_ = 	snop  }
0x7: {  	_ = 	snop  }
__scs_overlays_trampoline_lowered:
0x8: {  	[smem:$0x3FAF] =	sst s0  }
0x9: {  	[smem:$0x3FB0] =	sst s1  }
0xa: {  	[smem:$0x3FB1] =	sst s2  }
0xb: {  	[smem:$0x3FB2] =	sst s3  }
0xc: {  	[smem:$0x3FB3] =	sst s4  }
0xd: {  	[smem:$0x3FB4] =	sst s5  }
0xe: {  	[smem:$0x3FB5] =	sst s6  }
0xf: {  	[smem:$0x3FB6] =	sst s7  }
0x10: {  	[smem:$0x3FB7] =	sst s8  }
0x11: {  	[smem:$0x3FB8] =	sst s9;
	s0 =	simm.s32 @!p0 $0x0  }
0x12: {  	s1 =	sld [smem:$0x3F9E];
	s0 =	simm.s32 @p0 $0x1  }
0x13: {  	[smem:$0x3FB9] =	sst s0;
	s0 =	simm.s32 @!p1 $0x0  }
0x14: {  	s2 =	sld [smem:$0x3F9D];
	s0 =	simm.s32 @p1 $0x1  }
0x15: {  	[smem:$0x3FBA] =	sst s0;
	s0 =	simm.s32 @!p2 $0x0  }
0x16: {  	s3 =	sld [smem:$0x3FDB];
	s0 =	simm.s32 @p2 $0x1  }
0x17: {  	s4 =	simm.s32 $0x1BF5;
	[smem:$0x3FBC] =	sst s0  }
0x18: {  	s0 =	sld [smem:$0x3F9F];
	_ =	swait.ge [sflag:s4], $0x0  }
0x19: {  	s7 =	sld [smem:$0x3FA0]  }
0x1a: {  	s8 =	sadd.s32 $0xFFFFE003, lr  }
0x1b: {  	s9 =	sadd.s32 $0xFFFFFEF7, lr;
	s5 =	simm.s32 $0xFFFFFFFF;
	p2 =	slt.u32 s8, $0xFFFFF086  }
0x1c: {  	p1 =	slt.u32 s9, $0xF7A;
	s5 =	simm.s32 @!p2 $0x0  }
0x1d: {  	s5 =	simm.s32 @p1 $0x1;
	p0 =	seq.s32 s7, s2  }
0x1e: {  	s7 =	smul.u32 @!p0 $0xF7A, s2;
	p2 =	seq.s32 @!p0 s5, $0x0  }
0x1f: {  	s9 =	smul.u32 $0xF7A, s1;
	s8 =	simm.s32 @!p0 $0x1BF5;
	p2 =	por !p2, p0  }
0x20: {  	[sflag:s8] =	ssyncset.s32 @!p0 $0xFFFFF086;
	s6 =	sadd.s32 @!p0 s3, s7;
	s7 =	simm.s32 @!p0 $0x108  }
0x21: {  	s3 =	sadd.s32 s3, s9;
	s6 =	sadd.s32 @!p0 $0x88, s6;
	s7 =	simm.s32 @p2 $0x1082  }
0x22: {  	[simem:s7], [sflag:s8] =	dma.local @!p0 [hbm:s6], $0xF7A  }
0x23: {  	s9 =	sor.u32 $0xD0000000, s2;
	s6 =	simm.s32 $0x108;
	_ =	swait.ge @!p0 [sflag:s8], $0x0  }
0x24: {  	s3 =	sadd.s32 $0x88, s3;
	s6 =	simm.s32 @!p1 $0x1082;
	[sflag:s4] =	ssyncset.s32 $0xFFFFF086  }
0x25: {  	[simem:s6], [sflag:s4] =	dma.local [hbm:s3], $0xF7A  }
0x26: {  	[smem:$0x3FA0] =	sst s1;
	(tag) =	ssettag s2;
	_ =	strace s9  }
0x27: {  	s1 =	sld [smem:$0x3FB0]  }
0x28: {  	s2 =	sld [smem:$0x3FB1]  }
0x29: {  	s4 =	sld [smem:$0x3FB3]  }
0x2a: {  	p0 =	seq.s32 s5, $0x0;
	s5 =	sld [smem:$0x3FB4]  }
0x2b: {  	s6 =	sld [smem:$0x3FB5]  }
0x2c: {  	s7 =	sld [smem:$0x3FB6]  }
0x2d: {  	s3 =	simm.s32 $0x108;
	s8 =	sld [smem:$0x3FB7]  }
0x2e: {  	s3 =	simm.s32 @!p0 $0x1082;
	s9 =	sld [smem:$0x3FB8]  }
0x2f: {  	lr =	sadd.s32 s0, s3;
	s0 =	sld [smem:$0x3FAF]  }
0x30: {  	s3 =	sld [smem:$0x3FB2]  }
0x31: {  	[smem:$0x3FBB] =	sst s10  }
0x32: {  	s10 =	sld [smem:$0x3FB9];
	_ =	sdelay $0x3  }
0x33: {  	p0 =	seq.s32 s10, $0x1;
	s10 =	sld [smem:$0x3FBB];
	_ =	sdelay $0x3  }
0x34: {  	[smem:$0x3FBB] =	sst s10  }
0x35: {  	s10 =	sld [smem:$0x3FBA];
	_ =	sdelay $0x3  }
0x36: {  	p1 =	seq.s32 s10, $0x1;
	s10 =	sld [smem:$0x3FBB];
	_ =	sdelay $0x3  }
0x37: {  	[smem:$0x3FBB] =	sst s10  }
0x38: {  	s10 =	sld [smem:$0x3FBC]  }
0x39: {  	_ = 	snop;
	(pc) =	sbr.ind lr, $3  }
0x3a: {  	_ = 	snop  }
0x3b: {  	_ = 	snop  }
0x3c: {  	p2 =	seq.s32 s10, $0x1;
	s10 =	sld [smem:$0x3FBB]  }
0x3d: {  	_ =	shalt  }
0x3e: {  	_ =	shalt  }
0x3f: {  	_ =	shalt  }
0x40: {  	_ =	shalt  }
0x41: {  	_ =	shalt  }
0x42: {  	_ =	shalt  }
0x43: {  	_ =	shalt  }
0x44: {  	_ =	shalt  }
0x45: {  	_ =	shalt  }
0x46: {  	_ =	shalt  }
0x47: {  	_ =	shalt  }
0x48: {  	_ =	shalt  }
0x49: {  	_ =	shalt  }
0x4a: {  	_ =	shalt  }
0x4b: {  	_ =	shalt  }
0x4c: {  	_ =	shalt  }
0x4d: {  	_ =	shalt  }
0x4e: {  	_ =	shalt  }
0x4f: {  	_ =	shalt  }
0x50: {  	_ =	shalt  }
0x51: {  	_ =	shalt  }
0x52: {  	_ =	shalt  }
0x53: {  	_ =	shalt  }
0x54: {  	_ =	shalt  }
0x55: {  	_ =	shalt  }
0x56: {  	_ =	shalt  }
0x57: {  	_ =	shalt  }
0x58: {  	_ =	shalt  }
0x59: {  	_ =	shalt  }
0x5a: {  	_ =	shalt  }
0x5b: {  	_ =	shalt  }
0x5c: {  	_ =	shalt  }
0x5d: {  	_ =	shalt  }
0x5e: {  	_ =	shalt  }
0x5f: {  	_ =	shalt  }
0x60: {  	_ =	shalt  }
0x61: {  	_ =	shalt  }
0x62: {  	_ =	shalt  }
0x63: {  	_ =	shalt  }
0x64: {  	_ =	shalt  }
0x65: {  	_ =	shalt  }
0x66: {  	_ =	shalt  }
0x67: {  	_ =	shalt  }
0x68: {  	_ =	shalt  }
0x69: {  	_ =	shalt  }
0x6a: {  	_ =	shalt  }
0x6b: {  	_ =	shalt  }
0x6c: {  	_ =	shalt  }
0x6d: {  	_ =	shalt  }
0x6e: {  	_ =	shalt  }
0x6f: {  	_ =	shalt  }
0x70: {  	_ =	shalt  }
0x71: {  	_ =	shalt  }
0x72: {  	_ =	shalt  }
0x73: {  	_ =	shalt  }
0x74: {  	_ =	shalt  }
0x75: {  	_ =	shalt  }
0x76: {  	_ =	shalt  }
0x77: {  	_ =	shalt  }
0x78: {  	_ =	shalt  }
0x79: {  	_ =	shalt  }
0x7a: {  	_ =	shalt  }
0x7b: {  	_ =	shalt  }
0x7c: {  	_ =	shalt  }
0x7d: {  	_ =	shalt  }
0x7e: {  	_ =	shalt  }
0x7f: {  	_ =	shalt  }
0x80: {  	_ =	shalt  }
0x81: {  	_ =	shalt  }
0x82: {  	_ =	shalt  }
0x83: {  	_ =	shalt  }
0x84: {  	_ =	shalt  }
0x85: {  	_ =	shalt  }
0x86: {  	_ =	shalt  }
0x87: {  	_ =	shalt  }
.Lfunc_end0:
.L_simem_size_0:
called_computation_lowered:
.L_overlay_start_0:
0x88: {  	s2 =	sld [smem:$0x3FD9]  }
0x89: {  	s3 =	sld [smem:$0x3FFE];
	_ =	sdelay $0x1  }
0x8a: {  	s1 =	srdreg.scid  }
0x8b: {  	s0 =	sand.u32 $0x1, s1  }
0x8c: {  	s18 =	sshll.u32 s0, $0xA;
	s2 =	sadd.s32 s3, s2  }
0x8d: {  	s2 =	sadd.s32 s2, s18  }
0x8e: {  	[smem:$0x3FC7] =	sst s2  }
0x8f: {  	_ = 	snop  }
0x90: {  	s2 =	sld [smem:$0x3FC9]  }
0x91: {  	s19 =	sld [smem:$0x3FD0];
	(tm) =	ssettm $0x1  }
0x92: {  	s4 =	sld [smem:$0x3FFB];
	_ =	sdelay $0x3  }
0x93: {  	_ =	strace s4  }
0x94: {  	s4 =	sld [smem:$0x3FFC];
	_ =	sdelay $0x3  }
0x95: {  	_ =	strace s4  }
0x96: {  	s4 =	sld [smem:$0x3FFD];
	_ =	sdelay $0x3  }
0x97: {  	_ =	strace s4  }
0x98: {  	_ =	strace $0x8FFFFFFF  }
0x99: {  	s20 =	sld [smem:$0x3FDB];
	_ =	sdelay $0x1  }
0x9a: {  	s5 =	simm.s32 $_scs_section_size  }
0x9b: {  	s6 =	simm.s32 $_size__tile_overlayer_lowered;
	s7 =	simm.s32 $_tile_overlayer_lowered  }
0x9c: {  	s23 =	simm.s32 $0x1BFF;
	s22 =	sshll.u32 s7, $0x1;
	s4 =	sadd.s32 s5, s20  }
0x9d: {  	s8 =	simm.s32 $0x0;
	s21 =	sshll.u32 s6, $0x1;
	s6 =	sadd.s32 s22, s4  }
0x9e: {  	[timem:s8], [sflag:s23] =	dma.local [hbm:s6], s21  }
0x9f: {  	_ =	swait.ge [sflag:s23], s21  }
0xa0: {  	s5 =	ssub.s32 $0x0, s21;
	[sflag:s23] =	ssyncset.done $0x0  }
0xa1: {  	[sflag:s23] =	ssyncadd.s32 s5;
	_ =	sdelay $0x1  }
0xa2: {  	s24 =	simm.s32 $0x1B8B  }
0xa3: {  	_ =	swait.ge [sflag:s24], $0x1  }
0xa4: {  	[sflag:s24] =	ssyncset.done $0x0  }
0xa5: {  	s25 =	simm.s32 $0x1B8E;
	[sflag:s24] =	ssyncadd.s32 $0xFFFFFFFF  }
0xa6: {  	s26 =	simm.s32 $execute0_lowered;
	[smem:$0x3FD2] =	sst s25  }
0xa7: {  	s5 =	sshll.u32 s26, $0x1;
	_ =	strace $0x80000046;
	[dreg:$0x1] =	wrdreg $0xFFFFFFFF  }
0xa8: {  	s28 =	simm.s32 $_size_execute0_lowered;
	s4 =	sadd.s32 s4, s5;
	[dreg:$0x0] =	wrdreg $0x0  }
0xa9: {  	s5 =	sshll.u32 s28, $0x1;
	[dreg:$0x2] =	wrdreg s4  }
0xaa: {  	[dreg:$0x3] =	wrdreg s5  }
0xab: {  	[dreg:$0x4] =	wrdreg $0xC0  }
0xac: {  	_ =	task [dreg:s8], $0x5FFFF  }
0xad: {  	[dreg:$0x1] =	wrdreg $0xFFFFFFFF  }
0xae: {  	[dreg:$0x0] =	wrdreg $0x60  }
0xaf: {  	[dreg:$0x2] =	wrdreg s2  }
0xb0: {  	[dreg:$0x3] =	wrdreg s19  }
0xb1: {  	[dreg:$0x4] =	wrdreg $0xC3000  }
0xb2: {  	[dreg:$0x5] =	wrdreg $0xC4800  }
0xb3: {  	[dreg:$0x6] =	wrdreg $0x9  }
0xb4: {  	_ =	task.clear_ibuf [dreg:s8], $0x7FFFF;
	_ =	strace $0x90000046  }
0xb5: {  	s29 =	simm.s32 $0x9;
	_ =	strace $0x80000048  }
0xb6: {  	_ =	swait.ge [sflag:s29], $0x1  }
0xb7: {  	[sflag:s29] =	ssyncadd.s32 $0xFFFFFFFF  }
0xb8: {  	_ =	strace $0x90000048  }
0xb9: {  	_ =	sfence  }
0xba: {  	s30 =	sld [smem:$0x0];
	_ =	sdelay $0x2  }
0xbb: {  	s31 =	sshll.u32 s1, $0xD;
	s1 =	sshrl.u32 s1, $0x2  }
0xbc: {  	s3 =	sand.u32 $0x4000, s31;
	s1 =	sadd.s32 s1, s30  }
0xbd: {  	s0 =	sor.u32 s3, s0;
	s1 =	sshll.u32 s1, $0x11  }
0xbe: {  	s0 =	sor.u32 s1, s0  }
0xbf: {  	s0 =	sadd.s32 $0x8F2B, s0  }
0xc0: {  	[sflag:s0] =	ssyncadd.remote.s32 $0x1  }
0xc1: {  	_ =	sfence.sel $0xFFFF  }
0xc2: {  	[dreg:$0x0] =	wrdreg $0xFFFFFFFF;
	(pc) =	sbr.abs _section_cstart, $3  }
0xc3: {  	[dreg:$0x1] =	wrdreg $0xFFFFFFFF  }
0xc4: {  	_ =	task.clear_ibuf [dreg:s8], $0x2FFFF;
	_ =	strace $0x9FFFFFFF  }
0xc5: {  	(tm) =	ssettm $0x7FFFFFFF  }
tec
execute0_lowered:
.L_overlay_start_1:
0x0: {  	(tag) =	ssettag $0x1  }
0x1: {  	s0 =	rddreg [dreg:$0x0]  }
0x2: {  	s1 =	rddreg [dreg:$0x1]  }
0x3: {  	s11 =	rddreg [dreg:$0x2]  }
0x4: {  	s12 =	rddreg [dreg:$0x3]  }
0x5: {  	s2 =	srdreg.scid;
	s7 =	stileid.u32;
	s28 =	simm.s32 $0x2  }
0x6: {  	s29 =	simm.s32 $0x80;
	s30 =	simm.s32 $0x400;
	s31 =	simm.s32 $0x0  }
0x7: {  	s3 =	sand.u32 $0x1, s2;
	s2 =	simm.s32 $0x0;
	s5 =	sshrl.u32 s7, $0x1  }
0x8: {  	s13 =	sand.u32 $0x1, s7;
	s18 =	sshrl.u32 s7, $0x3;
	s9 =	sshll.u32 s7, $0x7  }
0x9: {  	s4 =	sshll.u32 s3, $0x3;
	[smem:$0x7FF] =	sst s2;
	s3 =	ssub.s32 $0x2, s3  }
0xa: {  	s17 =	sshll.u32 s13, $0x15;
	s15 =	sand.u32 $0x380, s9;
	s9 =	sand.u32 $0x300, s9  }
0xb: {  	p0 =	sne.s32 s13, $0x0;
	s10 =	sor.u32 s5, s4;
	s6 =	sshrl.u32 s3, $0x1  }
0xc: {  	s14 =	ssub.s32 s3, s6;
	s3 =	sadd.s32 $0x280, s0;
	s0 =	smul.u32 $0xC00, s18  }
0xd: {  	_ =	strace $0x80000047;
	s4 =	sshll.u32 s10, $0x16;
	s16 =	smul.u32 $0x30, s10  }
0xe: {  	s8 =	sor.u32 s17, s4;
	s4 =	sshll.u32 s13, $0xB;
	s14 =	smax.u32 s14, $0x1  }
0xf: {  	s13 =	simm.s32 $0x3;
	s5 =	sshrl.u32 s8, $0x3;
	s7 =	sor.u32 $0x20000, s8  }
0x10: {  	s8 =	sor.u32 $0x30000, s8;
	s15 =	sor.u32 s15, s0;
	s0 =	sor.u32 s0, s9  }
0x11: {  	s19 =	sadd.s32 s1, s16;
	s5 =	sadd.s32 s5, s3;
	s9 =	sadd.s32 s15, s11  }
0x12: {  	s0 =	sor.u32 $0x80, s0;
	[dreg:$0x5] =	wrdreg s19;
	s20 =	sadd.s32 $0x400, s9  }
0x13: {  	s10 =	sadd.s32 s15, s12;
	s21 =	sadd.s32 $0x800, s9;
	[dreg:$0x6] =	wrdreg s20  }
0x14: {  	s6 =	sadd.s32 $0x2000, s5;
	s24 =	sadd.s32 $0x400, s10;
	[dreg:$0x7] =	wrdreg s21  }
0x15: {  	s11 =	sadd.s32 s0, s11;
	s25 =	sadd.s32 $0x800, s10;
	[dreg:$0xa] =	wrdreg s24  }
.Ltmp0:
0x16: {  	s22 =	sadd.s32 $0x400, s11;
	[dreg:$0xb] =	wrdreg s25;
	(pc) =	sbr.rel .LBB2_1-.Ltmp0, $4  }
0x17: {  	s12 =	sadd.s32 s0, s12;
	s23 =	sadd.s32 $0x800, s11;
	[dreg:$0x8] =	wrdreg s22  }
0x18: {  	s0 =	simm.s32 $0x4;
	s26 =	sadd.s32 $0x400, s12;
	[dreg:$0x9] =	wrdreg s23  }
0x19: {  	s24 =	simm.s32 $0x2000;
	s25 =	simm.s32 $0x6000;
	[dreg:$0xc] =	wrdreg s26  }
0x1a: {  	v0 =	vimm.f32 $-Inf;
	v1 =	vimm.s32 $0x0;
	s22 =	sadd.s32 $0x800, s12;
	s23 =	simm.s32 $0xC00;
	s26 =	simm.s32 $0x1  }
.LBB2_16:
0x1b: {  	s31 =	sadd.s32 $0x1, s31  }
0x1c: {  	p1 =	sne.s32 s31, s14  }
.Ltmp1:
0x1d: {  	_ = 	snop;
	(pc) =	sbr.rel @!p1 .LBB2_17-.Ltmp1, $1  }
0x1e: {  	_ =	sdelay $0x3  }
.LBB2_1:
0x1f: {  	[tilespmem:$0xC000] =	vst v0  }
0x20: {  	[tilespmem:$0xC180] =	vst v1  }
0x21: {  	[tilespmem:$0xC010] =	vst v0  }
0x22: {  	[tilespmem:$0xC190] =	vst v1  }
0x23: {  	[tilespmem:$0xC020] =	vst v0  }
0x24: {  	[tilespmem:$0xC1A0] =	vst v1  }
0x25: {  	[tilespmem:$0xC030] =	vst v0  }
0x26: {  	[tilespmem:$0xC1B0] =	vst v1  }
0x27: {  	[tilespmem:$0xC040] =	vst v0  }
0x28: {  	[tilespmem:$0xC1C0] =	vst v1  }
0x29: {  	[tilespmem:$0xC050] =	vst v0  }
0x2a: {  	[tilespmem:$0xC1D0] =	vst v1  }
0x2b: {  	[tilespmem:$0xC060] =	vst v0  }
0x2c: {  	[tilespmem:$0xC1E0] =	vst v1  }
0x2d: {  	[tilespmem:$0xC070] =	vst v0  }
0x2e: {  	[tilespmem:$0xC1F0] =	vst v1  }
0x2f: {  	[tilespmem:$0xC080] =	vst v0  }
0x30: {  	[tilespmem:$0xC200] =	vst v1  }
0x31: {  	[tilespmem:$0xC090] =	vst v0  }
0x32: {  	[tilespmem:$0xC210] =	vst v1  }
0x33: {  	[tilespmem:$0xC0A0] =	vst v0  }
0x34: {  	[tilespmem:$0xC220] =	vst v1  }
0x35: {  	[tilespmem:$0xC0B0] =	vst v0  }
0x36: {  	[tilespmem:$0xC230] =	vst v1  }
0x37: {  	[tilespmem:$0xC0C0] =	vst v0  }
0x38: {  	[tilespmem:$0xC240] =	vst v1  }
0x39: {  	[tilespmem:$0xC0D0] =	vst v0  }
0x3a: {  	[tilespmem:$0xC250] =	vst v1  }
0x3b: {  	[tilespmem:$0xC0E0] =	vst v0  }
0x3c: {  	[tilespmem:$0xC260] =	vst v1  }
0x3d: {  	[tilespmem:$0xC0F0] =	vst v0  }
0x3e: {  	[tilespmem:$0xC270] =	vst v1  }
0x3f: {  	[tilespmem:$0xC100] =	vst v0  }
0x40: {  	[tilespmem:$0xC280] =	vst v1  }
0x41: {  	[tilespmem:$0xC110] =	vst v0  }
0x42: {  	[tilespmem:$0xC290] =	vst v1  }
0x43: {  	[tilespmem:$0xC120] =	vst v0  }
0x44: {  	[tilespmem:$0xC2A0] =	vst v1  }
0x45: {  	[tilespmem:$0xC130] =	vst v0  }
0x46: {  	[tilespmem:$0xC2B0] =	vst v1  }
0x47: {  	[tilespmem:$0xC140] =	vst v0  }
0x48: {  	[tilespmem:$0xC2C0] =	vst v1  }
0x49: {  	[tilespmem:$0xC150] =	vst v0  }
0x4a: {  	[tilespmem:$0xC2D0] =	vst v1  }
0x4b: {  	[tilespmem:$0xC160] =	vst v0  }
0x4c: {  	[tilespmem:$0xC2E0] =	vst v1  }
0x4d: {  	[tilespmem:$0xC170] =	vst v0  }
0x4e: {  	[tilespmem:$0xC2F0] =	vst v1  }
0x4f: {  	[tilespmem:s2], [sflag:$0x1] =	stream.strided.gather [hbm4b:s5+s23], $0x6000, s24, s23, $0x38;
	[tilespmem:$0xCD80] =	vst v63  }
0x50: {  	s15 =	simm.s32 $0x0  }
0x51: {  	[tilespmem:s25], [sflag:$0x2] =	stream.strided.gather [hbm4b:s6+s23], $0x6000, s24, s23, $0x38;
	[tilespmem:$0xCD80] =	vst v63  }
.LBB2_2:
0x52: {  	_ =	swait.ge [sflag:s26], $0x6000;
	s1 =	sshll.u32 s15, $0x7  }
0x53: {  	s17 =	simm.s32 $0x0;
	[sflag:s26] =	ssyncset.done $0x0;
	s16 =	sor.u32 s4, s1  }
0x54: {  	s18 =	simm.s32 $0x0;
	s1 =	simm.s32 $0x0;
	[sflag:s26] =	ssyncadd.s32 $0xFFFFA000;
	v2 =	vmov s16  }
.LBB2_3:
0x55: {  	s19 =	sshll.u32 s17, $0x2;
	s20 =	sand.u32 $0x7, s1  }
0x56: {  	s19 =	sand.u32 $0xFFFFF000, s19;
	s20 =	sshll.u32 s20, $0x6  }
0x57: {  	s19 =	sor.u32 s20, s19  }
0x58: {  	s19 =	sshrl.u32 s19, $0x2  }
0x59: {  	s19 =	sor.u32 $0x200, s19  }
0x5a: {  	v3 =	vmov s19;
	_ =	sdelay $0x1  }
0x5b: {  	s19 =	sshll.u32 s18, $0x4  }
0x5c: {  	v6 =	vld [tilespmem:s19+$0xC000]  }
0x5d: {  	s21 =	simm.s32 $0x0;
	v9 =	vld [tilespmem:s19+$0xC180]  }
0x5e: {  	v11 =	vld.idx.msk [tilespmem:v3+s21+$0xFFFFFE00 ss:$0x1], $0xffff  }
0x5f: {  	v13 =	vld.idx.msk [tilespmem:v3+s21+$0xFFFFFE80 ss:$0x1], $0xffff  }
0x60: {  	v14 =	vld.idx.msk [tilespmem:v3+s21+$0xFFFFFF00 ss:$0x1], $0xffff  }
0x61: {  	v15 =	vimm.f32 $-Inf;
	v16 =	vimm.s32 $0x0;
	v17 =	vld.idx.msk [tilespmem:v3+s21+$0xFFFFFF80 ss:$0x1], $0xffff  }
0x62: {  	v7 =	vor.u32 $0x4, v2;
	v4 =	vor.u32 $0x6, v2;
	v5 =	vor.u32 $0x7, v2;
	v8 =	vld.idx.msk [tilespmem:v3+s21+$0x0 ss:$0x1], $0xffff  }
0x63: {  	v18 =	vor.u32 $0x2, v2;
	v19 =	vor.u32 $0x3, v2;
	v10 =	vld.idx.msk [tilespmem:v3+s21+$0x80 ss:$0x1], $0xffff;
	vm0 =	vgt.f32 v11, v6  }
0x64: {  	v12 =	vor.u32 $0x5, v2;
	vm1 =	vgt.f32 v13, v15;
	v6 =	vsel vm0, v11, v6;
	v11 =	vld.idx.msk [tilespmem:v3+s21+$0x100 ss:$0x1], $0xffff  }
0x65: {  	v20 =	vor.u32 $0x1, v2;
	v15 =	vsel vm1, v13, v15;
	v9 =	vsel vm0, v2, v9;
	v13 =	vld.idx.msk [tilespmem:v3+s21+$0x180 ss:$0x1], $0xffff  }
0x66: {  	s20 =	simm.s32 $0xC00;
	v16 =	vsel vm1, v20, v16;
	vm0 =	vgt.f32 v14, v6;
	vm1 =	vgt.f32 v17, v15  }
0x67: {  	v14 =	vsel vm0, v14, v6;
	v15 =	vsel vm1, v17, v15;
	v16 =	vsel vm1, v19, v16;
	v6 =	vld.idx.msk [tilespmem:v3+s20+$0xFFFFFE00 ss:$0x1], $0xffff  }
0x68: {  	s21 =	simm.s32 $0x6000;
	v17 =	vsel vm0, v18, v9;
	vm0 =	vgt.f32 v8, v14;
	vm1 =	vgt.f32 v10, v15;
	v9 =	vmovc v2  }
.LBB2_4:
0x69: {  	p1 =	sne.s32 s21, $0x15000;
	v18 =	vld.idx.msk [tilespmem:v3+s20+$0xFFFFFE80 ss:$0x1], $0xffff;
	v8 =	vsel vm0, v8, v14;
	v10 =	vsel vm1, v10, v15;
	v12 =	vsel vm1, v12, v16  }
0x6a: {  	v7 =	vsel vm0, v7, v17;
	v14 =	vld.idx.msk [tilespmem:v3+s20+$0xFFFFFF00 ss:$0x1], $0xffff;
	vm0 =	vgt.f32 v11, v8;
	vm1 =	vgt.f32 v13, v10  }
0x6b: {  	v15 =	vld.idx.msk [tilespmem:v3+s20+$0xFFFFFF80 ss:$0x1], $0xffff;
	v16 =	vsel vm0, v11, v8;
	v17 =	vsel vm1, v13, v10;
	v19 =	vsel vm1, v5, v12  }
0x6c: {  	v9 =	vadd.s32 $0x8, v9;
	v20 =	vsel vm0, v4, v7;
	v8 =	vld.idx.msk [tilespmem:v3+s20+$0x0 ss:$0x1], $0xffff  }
0x6d: {  	v7 =	vor.u32 $0x4, v9;
	v4 =	vor.u32 $0x6, v9;
	v5 =	vor.u32 $0x7, v9;
	v10 =	vld.idx.msk [tilespmem:v3+s20+$0x80 ss:$0x1], $0xffff  }
0x6e: {  	v21 =	vor.u32 $0x2, v9;
	v22 =	vor.u32 $0x3, v9;
	v12 =	vor.u32 $0x5, v9;
	v11 =	vld.idx.msk [tilespmem:v3+s20+$0x100 ss:$0x1], $0xffff  }
.Ltmp2:
0x6f: {  	v23 =	vor.u32 $0x1, v9;
	vm0 =	vgt.f32 v6, v16;
	vm1 =	vgt.f32 v18, v17;
	v13 =	vld.idx.msk [tilespmem:v3+s20+$0x180 ss:$0x1], $0xffff;
	(pc) =	sbr.rel @p1 .LBB2_4-.Ltmp2, $4  }
0x70: {  	v6 =	vsel vm0, v6, v16;
	v16 =	vsel vm1, v18, v17;
	v17 =	vsel vm1, v23, v19  }
0x71: {  	v18 =	vsel vm0, v9, v20;
	vm0 =	vgt.f32 v14, v6;
	vm1 =	vgt.f32 v15, v16  }
0x72: {  	s20 =	sshra.s32 s21, $0x2;
	v14 =	vsel vm0, v14, v6;
	v15 =	vsel vm1, v15, v16;
	v16 =	vsel vm1, v22, v17  }
0x73: {  	s21 =	sadd.s32 $0x3000, s21;
	v17 =	vsel vm0, v21, v18;
	vm0 =	vgt.f32 v8, v14;
	vm1 =	vgt.f32 v10, v15;
	v6 =	vld.idx.msk [tilespmem:v3+s20+$0xFFFFFE00 ss:$0x1], $0xffff  }
0x74: {  	_ =	sdelay $0x2  }
0x75: {  	v8 =	vsel vm0, v8, v14;
	v10 =	vsel vm1, v10, v15;
	v12 =	vsel vm1, v12, v16  }
0x76: {  	v55 =	vld.idx.msk [tilespmem:v3+s20+$0xFFFFFE80 ss:$0x1], $0xffff;
	v7 =	vsel vm0, v7, v17;
	v9 =	vadd.s32 $0x8, v9;
	vm5 =	vgt.f32 v11, v8  }
0x77: {  	v56 =	vld.idx.msk [tilespmem:v3+s20+$0xFFFFFF00 ss:$0x1], $0xffff;
	vm6 =	vgt.f32 v13, v10;
	v58 =	vor.u32 $0x4, v9;
	v60 =	vor.u32 $0x6, v9  }
0x78: {  	v57 =	vld.idx.msk [tilespmem:v3+s20+$0xFFFFFF80 ss:$0x1], $0xffff;
	v61 =	vor.u32 $0x7, v9;
	v62 =	vor.u32 $0x2, v9;
	v19 =	vor.u32 $0x3, v9  }
0x79: {  	v59 =	vld.idx.msk [tilespmem:v3+s20+$0x0 ss:$0x1], $0xffff;
	v20 =	vor.u32 $0x5, v9;
	v22 =	vor.u32 $0x1, v9;
	v8 =	vsel vm5, v11, v8  }
0x7a: {  	v18 =	vld.idx.msk [tilespmem:v3+s20+$0x80 ss:$0x1], $0xffff;
	v10 =	vsel vm6, v13, v10;
	v5 =	vsel vm6, v5, v12;
	vm7 =	vgt.f32 v6, v8  }
0x7b: {  	v21 =	vld.idx.msk [tilespmem:v3+s20+$0x100 ss:$0x1], $0xffff;
	v4 =	vsel vm5, v4, v7;
	vm8 =	vgt.f32 v55, v10;
	v6 =	vsel vm7, v6, v8  }
0x7c: {  	v3 =	vld.idx.msk [tilespmem:v3+s20+$0x180 ss:$0x1], $0xffff;
	v4 =	vsel vm7, v9, v4;
	v63 =	vsel vm8, v55, v10;
	vm9 =	vgt.f32 v56, v6  }
0x7d: {  	v5 =	vsel vm8, v22, v5;
	vm10 =	vgt.f32 v57, v63;
	v6 =	vsel vm9, v56, v6  }
0x7e: {  	v4 =	vsel vm9, v62, v4;
	v8 =	vsel vm10, v57, v63;
	vm11 =	vgt.f32 v59, v6  }
0x7f: {  	v5 =	vsel vm10, v19, v5;
	vm12 =	vgt.f32 v18, v8;
	v6 =	vsel vm11, v59, v6  }
0x80: {  	v4 =	vsel vm11, v58, v4;
	v8 =	vsel vm12, v18, v8;
	vm13 =	vgt.f32 v21, v6  }
0x81: {  	v5 =	vsel vm12, v20, v5;
	vm14 =	vgt.f32 v3, v8;
	v6 =	vsel vm13, v21, v6  }
0x82: {  	s18 =	sadd.s32 $0x1, s18;
	v4 =	vsel vm13, v60, v4;
	v3 =	vsel vm14, v3, v8;
	v5 =	vsel vm14, v61, v5  }
0x83: {  	p1 =	sne.s32 s18, $0x18;
	vm15 =	veq.f32 v3, v6;
	vm1 =	vlt.s32 v5, v4  }
.Ltmp3:
0x84: {  	vm2 =	vgt.f32 v3, v6;
	vm0 =	vmand vm15, vm1;
	(pc) =	sbr.rel @p1 .LBB2_3-.Ltmp3, $4  }
0x85: {  	vm0 =	vmor vm2, vm0  }
0x86: {  	v3 =	vsel vm0, v3, v6  }
0x87: {  	[tilespmem:s19+$0xC000] =	vst v3;
	v3 =	vsel vm0, v5, v4  }
0x88: {  	s17 =	sadd.s32 $0x80, s17;
	s1 =	sadd.s32 $0x1, s1;
	[tilespmem:s19+$0xC180] =	vst v3  }
0x89: {  	s1 =	sshll.u32 s15, $0x11;
	p1 =	seq.s32 s15, $0xF  }
0x8a: {  	s17 =	sadd.s32 @!p1 s1, s7  }
0x8b: {  	s18 =	simm.s32 @!p1 $0xC00;
	s17 =	sshrl.u32 @!p1 s17, $0x3  }
0x8c: {  	s19 =	simm.s32 @!p1 $0x2000;
	s20 =	simm.s32 @!p1 $0x0;
	s17 =	sadd.s32 @!p1 s17, s3  }
0x8d: {  	[tilespmem:s20], [sflag:$0x1] =	stream.strided.gather @!p1 [hbm4b:s17+s18], $0x6000, s19, s18, $0x38;
	[tilespmem:$0xCD80] =	vst v63  }
0x8e: {  	s16 =	sor.u32 $0x40, s16;
	_ =	swait.ge [sflag:s28], $0x6000  }
0x8f: {  	v2 =	vmov s16;
	s16 =	simm.s32 $0x0;
	[sflag:s28] =	ssyncset.done $0x0  }
0x90: {  	s17 =	simm.s32 $0x0;
	s18 =	simm.s32 $0x0;
	[sflag:s28] =	ssyncadd.s32 $0xFFFFA000  }
.LBB2_7:
0x91: {  	s19 =	sshll.u32 s17, $0x2;
	s20 =	sand.u32 $0x7, s16  }
0x92: {  	s19 =	sand.u32 $0xFFFFF000, s19;
	s20 =	sshll.u32 s20, $0x6  }
0x93: {  	s19 =	sor.u32 s20, s19  }
0x94: {  	s19 =	sshrl.u32 s19, $0x2  }
0x95: {  	s19 =	sadd.s32 $0x6200, s19  }
0x96: {  	v3 =	vmov s19;
	_ =	sdelay $0x1  }
0x97: {  	s19 =	sshll.u32 s18, $0x4  }
0x98: {  	v6 =	vld [tilespmem:s19+$0xC000]  }
0x99: {  	s21 =	simm.s32 $0x0;
	v9 =	vld [tilespmem:s19+$0xC180]  }
0x9a: {  	v11 =	vld.idx.msk [tilespmem:v3+s21+$0xFFFFFE00 ss:$0x1], $0xffff  }
0x9b: {  	v13 =	vld.idx.msk [tilespmem:v3+s21+$0xFFFFFE80 ss:$0x1], $0xffff  }
0x9c: {  	v14 =	vld.idx.msk [tilespmem:v3+s21+$0xFFFFFF00 ss:$0x1], $0xffff  }
0x9d: {  	v15 =	vimm.f32 $-Inf;
	v16 =	vimm.s32 $0x0;
	v17 =	vld.idx.msk [tilespmem:v3+s21+$0xFFFFFF80 ss:$0x1], $0xffff  }
0x9e: {  	v7 =	vor.u32 $0x4, v2;
	v4 =	vor.u32 $0x6, v2;
	v5 =	vor.u32 $0x7, v2;
	v8 =	vld.idx.msk [tilespmem:v3+s21+$0x0 ss:$0x1], $0xffff  }
0x9f: {  	v18 =	vor.u32 $0x2, v2;
	v19 =	vor.u32 $0x3, v2;
	v10 =	vld.idx.msk [tilespmem:v3+s21+$0x80 ss:$0x1], $0xffff;
	vm0 =	vgt.f32 v11, v6  }
0xa0: {  	v12 =	vor.u32 $0x5, v2;
	vm1 =	vgt.f32 v13, v15;
	v6 =	vsel vm0, v11, v6;
	v11 =	vld.idx.msk [tilespmem:v3+s21+$0x100 ss:$0x1], $0xffff  }
0xa1: {  	v20 =	vor.u32 $0x1, v2;
	v15 =	vsel vm1, v13, v15;
	v9 =	vsel vm0, v2, v9;
	v13 =	vld.idx.msk [tilespmem:v3+s21+$0x180 ss:$0x1], $0xffff  }
0xa2: {  	s20 =	simm.s32 $0xC00;
	v16 =	vsel vm1, v20, v16;
	vm0 =	vgt.f32 v14, v6;
	vm1 =	vgt.f32 v17, v15  }
0xa3: {  	v14 =	vsel vm0, v14, v6;
	v15 =	vsel vm1, v17, v15;
	v16 =	vsel vm1, v19, v16;
	v6 =	vld.idx.msk [tilespmem:v3+s20+$0xFFFFFE00 ss:$0x1], $0xffff  }
0xa4: {  	s21 =	simm.s32 $0x6000;
	v17 =	vsel vm0, v18, v9;
	vm0 =	vgt.f32 v8, v14;
	vm1 =	vgt.f32 v10, v15;
	v9 =	vmovc v2  }
.LBB2_8:
0xa5: {  	p2 =	sne.s32 s21, $0x15000;
	v18 =	vld.idx.msk [tilespmem:v3+s20+$0xFFFFFE80 ss:$0x1], $0xffff;
	v8 =	vsel vm0, v8, v14;
	v10 =	vsel vm1, v10, v15;
	v12 =	vsel vm1, v12, v16  }
0xa6: {  	v7 =	vsel vm0, v7, v17;
	v14 =	vld.idx.msk [tilespmem:v3+s20+$0xFFFFFF00 ss:$0x1], $0xffff;
	vm0 =	vgt.f32 v11, v8;
	vm1 =	vgt.f32 v13, v10  }
0xa7: {  	v15 =	vld.idx.msk [tilespmem:v3+s20+$0xFFFFFF80 ss:$0x1], $0xffff;
	v16 =	vsel vm0, v11, v8;
	v17 =	vsel vm1, v13, v10;
	v19 =	vsel vm1, v5, v12  }
0xa8: {  	v9 =	vadd.s32 $0x8, v9;
	v20 =	vsel vm0, v4, v7;
	v8 =	vld.idx.msk [tilespmem:v3+s20+$0x0 ss:$0x1], $0xffff  }
0xa9: {  	v7 =	vor.u32 $0x4, v9;
	v4 =	vor.u32 $0x6, v9;
	v5 =	vor.u32 $0x7, v9;
	v10 =	vld.idx.msk [tilespmem:v3+s20+$0x80 ss:$0x1], $0xffff  }
0xaa: {  	v21 =	vor.u32 $0x2, v9;
	v22 =	vor.u32 $0x3, v9;
	v12 =	vor.u32 $0x5, v9;
	v11 =	vld.idx.msk [tilespmem:v3+s20+$0x100 ss:$0x1], $0xffff  }
.Ltmp4:
0xab: {  	v23 =	vor.u32 $0x1, v9;
	vm0 =	vgt.f32 v6, v16;
	vm1 =	vgt.f32 v18, v17;
	v13 =	vld.idx.msk [tilespmem:v3+s20+$0x180 ss:$0x1], $0xffff;
	(pc) =	sbr.rel @p2 .LBB2_8-.Ltmp4, $4  }
0xac: {  	v6 =	vsel vm0, v6, v16;
	v16 =	vsel vm1, v18, v17;
	v17 =	vsel vm1, v23, v19  }
0xad: {  	v18 =	vsel vm0, v9, v20;
	vm0 =	vgt.f32 v14, v6;
	vm1 =	vgt.f32 v15, v16  }
0xae: {  	s20 =	sshra.s32 s21, $0x2;
	v14 =	vsel vm0, v14, v6;
	v15 =	vsel vm1, v15, v16;
	v16 =	vsel vm1, v22, v17  }
0xaf: {  	s21 =	sadd.s32 $0x3000, s21;
	v17 =	vsel vm0, v21, v18;
	vm0 =	vgt.f32 v8, v14;
	vm1 =	vgt.f32 v10, v15;
	v6 =	vld.idx.msk [tilespmem:v3+s20+$0xFFFFFE00 ss:$0x1], $0xffff  }
0xb0: {  	_ =	sdelay $0x2  }
0xb1: {  	v8 =	vsel vm0, v8, v14;
	v10 =	vsel vm1, v10, v15;
	v12 =	vsel vm1, v12, v16  }
0xb2: {  	v55 =	vld.idx.msk [tilespmem:v3+s20+$0xFFFFFE80 ss:$0x1], $0xffff;
	v7 =	vsel vm0, v7, v17;
	v9 =	vadd.s32 $0x8, v9;
	vm5 =	vgt.f32 v11, v8  }
0xb3: {  	v56 =	vld.idx.msk [tilespmem:v3+s20+$0xFFFFFF00 ss:$0x1], $0xffff;
	vm6 =	vgt.f32 v13, v10;
	v58 =	vor.u32 $0x4, v9;
	v60 =	vor.u32 $0x6, v9  }
0xb4: {  	v57 =	vld.idx.msk [tilespmem:v3+s20+$0xFFFFFF80 ss:$0x1], $0xffff;
	v61 =	vor.u32 $0x7, v9;
	v62 =	vor.u32 $0x2, v9;
	v19 =	vor.u32 $0x3, v9  }
0xb5: {  	v59 =	vld.idx.msk [tilespmem:v3+s20+$0x0 ss:$0x1], $0xffff;
	v20 =	vor.u32 $0x5, v9;
	v22 =	vor.u32 $0x1, v9;
	v8 =	vsel vm5, v11, v8  }
0xb6: {  	v18 =	vld.idx.msk [tilespmem:v3+s20+$0x80 ss:$0x1], $0xffff;
	v10 =	vsel vm6, v13, v10;
	v5 =	vsel vm6, v5, v12;
	vm7 =	vgt.f32 v6, v8  }
0xb7: {  	v21 =	vld.idx.msk [tilespmem:v3+s20+$0x100 ss:$0x1], $0xffff;
	v4 =	vsel vm5, v4, v7;
	vm8 =	vgt.f32 v55, v10;
	v6 =	vsel vm7, v6, v8  }
0xb8: {  	v3 =	vld.idx.msk [tilespmem:v3+s20+$0x180 ss:$0x1], $0xffff;
	v4 =	vsel vm7, v9, v4;
	v63 =	vsel vm8, v55, v10;
	vm9 =	vgt.f32 v56, v6  }
0xb9: {  	v5 =	vsel vm8, v22, v5;
	vm10 =	vgt.f32 v57, v63;
	v6 =	vsel vm9, v56, v6  }
0xba: {  	v4 =	vsel vm9, v62, v4;
	v8 =	vsel vm10, v57, v63;
	vm11 =	vgt.f32 v59, v6  }
0xbb: {  	v5 =	vsel vm10, v19, v5;
	vm12 =	vgt.f32 v18, v8;
	v6 =	vsel vm11, v59, v6  }
0xbc: {  	v4 =	vsel vm11, v58, v4;
	v8 =	vsel vm12, v18, v8;
	vm13 =	vgt.f32 v21, v6  }
0xbd: {  	v5 =	vsel vm12, v20, v5;
	vm14 =	vgt.f32 v3, v8;
	v6 =	vsel vm13, v21, v6  }
0xbe: {  	s18 =	sadd.s32 $0x1, s18;
	v4 =	vsel vm13, v60, v4;
	v3 =	vsel vm14, v3, v8;
	v5 =	vsel vm14, v61, v5  }
0xbf: {  	p2 =	sne.s32 s18, $0x18;
	vm15 =	veq.f32 v3, v6;
	vm1 =	vlt.s32 v5, v4  }
.Ltmp5:
0xc0: {  	vm2 =	vgt.f32 v3, v6;
	vm0 =	vmand vm15, vm1;
	(pc) =	sbr.rel @p2 .LBB2_7-.Ltmp5, $4  }
0xc1: {  	vm0 =	vmor vm2, vm0  }
0xc2: {  	v3 =	vsel vm0, v3, v6  }
0xc3: {  	[tilespmem:s19+$0xC000] =	vst v3;
	v3 =	vsel vm0, v5, v4  }
0xc4: {  	s17 =	sadd.s32 $0x80, s17;
	s16 =	sadd.s32 $0x1, s16;
	[tilespmem:s19+$0xC180] =	vst v3  }
.Ltmp6:
0xc5: {  	(pc) =	sbr.rel @p1 .LBB2_12-.Ltmp6, $1  }
0xc6: {  	_ =	sdelay $0x3  }
.Ltmp7:
0xc7: {  	(pc) =	sbr.rel .LBB2_2-.Ltmp7, $4  }
0xc8: {  	s1 =	sadd.s32 s1, s8  }
0xc9: {  	s1 =	sshrl.u32 s1, $0x3  }
0xca: {  	s15 =	sadd.s32 $0x1, s15;
	s1 =	sadd.s32 s1, s3  }
0xcb: {  	[tilespmem:s25], [sflag:$0x2] =	stream.strided.gather [hbm4b:s1+s23], $0x6000, s24, s23, $0x38;
	[tilespmem:$0xCD80] =	vst v63  }
.LBB2_12:
0xcc: {  	s1 =	simm.s32 $0xC000  }
0xcd: {  	[spmem:s9] =	stream.strided.scatter [tilespmem:s1], [sflag:$0x4], $0x180, s30, s29, $0x38;
	[tilespmem:$0xCD80] =	vst v63  }
0xce: {  	_ =	swait.ge [sflag:s0], $0x180  }
0xcf: {  	[sflag:s0] =	ssyncset.done $0x0  }
0xd0: {  	s21 =	simm.s32 $0xC180;
	[sflag:s0] =	ssyncadd.s32 $0xFFFFFE80  }
0xd1: {  	[spmem:s10] =	stream.strided.scatter [tilespmem:s21], [sflag:$0x4], $0x180, s30, s29, $0x38;
	[tilespmem:$0xCD80] =	vst v63  }
.Ltmp8:
0xd2: {  	_ =	swait.ge [sflag:s0], $0x180;
	(pc) =	sbr.rel @p0 .LBB2_16-.Ltmp8, $3  }
0xd3: {  	[sflag:s0] =	ssyncset.done $0x0  }
0xd4: {  	[sflag:s0] =	ssyncadd.s32 $0xFFFFFE80  }
0xd5: {  	[bflag:$0x0] =	sbarrier.arrive $0xFFFF;
	_ =	sdelay $0x1  }
0xd6: {  	s1 =	simm.s32 $0xC600  }
0xd7: {  	[tilespmem:s1], [sflag:$0x3] =	stream.linear.gather [spmem:s9], $0x80, $0x38;
	[tilespmem:$0xCD80] =	vst v63  }
0xd8: {  	s16 =	rddreg [dreg:$0x6];
	s15 =	simm.s32 $0xC700  }
0xd9: {  	[tilespmem:s15], [sflag:$0x3] =	stream.linear.gather [spmem:s16], $0x80, $0x38;
	[tilespmem:$0xCD80] =	vst v63  }
0xda: {  	s17 =	rddreg [dreg:$0x7];
	s18 =	simm.s32 $0xC800  }
0xdb: {  	[tilespmem:s18], [sflag:$0x3] =	stream.linear.gather [spmem:s17], $0x80, $0x38;
	[tilespmem:$0xCD80] =	vst v63  }
0xdc: {  	_ =	swait.ge [sflag:s13], $0x180  }
0xdd: {  	[sflag:s13] =	ssyncset.done $0x0  }
0xde: {  	s19 =	simm.s32 $0xC680;
	[sflag:s13] =	ssyncadd.s32 $0xFFFFFE80  }
0xdf: {  	[tilespmem:s19], [sflag:$0x3] =	stream.linear.gather [spmem:s11], $0x80, $0x38;
	[tilespmem:$0xCD80] =	vst v63  }
0xe0: {  	s21 =	simm.s32 $0xC780;
	s20 =	rddreg [dreg:$0x8]  }
0xe1: {  	[tilespmem:s21], [sflag:$0x3] =	stream.linear.gather [spmem:s20], $0x80, $0x38;
	[tilespmem:$0xCD80] =	vst v63  }
0xe2: {  	s16 =	simm.s32 $0xC880;
	s15 =	rddreg [dreg:$0x9]  }
0xe3: {  	[tilespmem:s16], [sflag:$0x3] =	stream.linear.gather [spmem:s15], $0x80, $0x38;
	[tilespmem:$0xCD80] =	vst v63  }
0xe4: {  	_ =	swait.ge [sflag:s13], $0x180  }
0xe5: {  	[sflag:s13] =	ssyncset.done $0x0  }
0xe6: {  	s17 =	simm.s32 $0xC900;
	[sflag:s13] =	ssyncadd.s32 $0xFFFFFE80  }
0xe7: {  	[tilespmem:s17], [sflag:$0x3] =	stream.linear.gather [spmem:s10], $0x80, $0x38;
	[tilespmem:$0xCD80] =	vst v63  }
0xe8: {  	s19 =	simm.s32 $0xCA00;
	s18 =	rddreg [dreg:$0xa]  }
0xe9: {  	[tilespmem:s19], [sflag:$0x3] =	stream.linear.gather [spmem:s18], $0x80, $0x38;
	[tilespmem:$0xCD80] =	vst v63  }
0xea: {  	s21 =	simm.s32 $0xCB00;
	s20 =	rddreg [dreg:$0xb]  }
0xeb: {  	[tilespmem:s21], [sflag:$0x3] =	stream.linear.gather [spmem:s20], $0x80, $0x38;
	[tilespmem:$0xCD80] =	vst v63  }
0xec: {  	_ =	swait.ge [sflag:s13], $0x180  }
0xed: {  	[sflag:s13] =	ssyncset.done $0x0  }
0xee: {  	s16 =	simm.s32 $0xC980;
	[sflag:s13] =	ssyncadd.s32 $0xFFFFFE80  }
0xef: {  	[tilespmem:s16], [sflag:$0x3] =	stream.linear.gather [spmem:s12], $0x80, $0x38;
	[tilespmem:$0xCD80] =	vst v63  }
0xf0: {  	s18 =	simm.s32 $0xCA80;
	s17 =	rddreg [dreg:$0xc]  }
0xf1: {  	[tilespmem:s18], [sflag:$0x3] =	stream.linear.gather [spmem:s17], $0x80, $0x38;
	[tilespmem:$0xCD80] =	vst v63  }
0xf2: {  	s19 =	simm.s32 $0xCB80  }
0xf3: {  	[tilespmem:s19], [sflag:$0x3] =	stream.linear.gather [spmem:s22], $0x80, $0x38;
	[tilespmem:$0xCD80] =	vst v63  }
0xf4: {  	s20 =	simm.s32 $0x0;
	_ =	swait.ge [sflag:s13], $0x180  }
0xf5: {  	s21 =	sand.u32 $0x70, s20;
	s1 =	sand.u32 $0x300, s20;
	[sflag:s13] =	ssyncset.done $0x0  }
0xf6: {  	s1 =	sor.u32 s21, s1;
	[sflag:s13] =	ssyncadd.s32 $0xFFFFFE80  }
0xf7: {  	v2 =	vld [tilespmem:s1+$0xC900]  }
0xf8: {  	v3 =	vld [tilespmem:s1+$0xC680]  }
0xf9: {  	v4 =	vld [tilespmem:s1+$0xC600]  }
0xfa: {  	v5 =	vld [tilespmem:s1+$0xC980];
	_ =	sdelay $0x3  }
0xfb: {  	s15 =	simm.s32 $0x20;
	s16 =	simm.s32 $0x10;
	vm0 =	vgt.f32 v3, v4  }
0xfc: {  	s16 =	sand.u32 $0x70, s16;
	s17 =	sand.u32 $0x300, s15;
	s1 =	simm.s32 $0xCC00;
	v2 =	vsel vm0, v5, v2  }
0xfd: {  	s17 =	sor.u32 s16, s17;
	[tilespmem:s1+$0x0] =	vst v2  }
0xfe: {  	s16 =	simm.s32 $0x20;
	v2 =	vld [tilespmem:s17+$0xC900]  }
.LBB2_14:
0xff: {  	p1 =	sne.s32 s16, $0x170;
	v3 =	vld [tilespmem:s17+$0xC680]  }
0x100: {  	v4 =	vld [tilespmem:s17+$0xC600]  }
0x101: {  	v5 =	vld [tilespmem:s17+$0xC980];
	_ =	sdelay $0x2  }
.Ltmp9:
0x102: {  	(pc) =	sbr.rel @p1 .LBB2_14-.Ltmp9, $4  }
0x103: {  	s15 =	sadd.s32 $0x20, s15;
	vm0 =	vgt.f32 v3, v4  }
0x104: {  	s1 =	sadd.s32 $0x10, s1;
	s18 =	sand.u32 $0x300, s15;
	s17 =	sand.u32 $0x70, s16;
	v2 =	vsel vm0, v5, v2  }
0x105: {  	s17 =	sor.u32 s17, s18;
	[tilespmem:s1+$0x0] =	vst v2  }
0x106: {  	s16 =	sadd.s32 $0x10, s16;
	v2 =	vld [tilespmem:s17+$0xC900]  }
0x107: {  	v3 =	vld [tilespmem:s17+$0xC680]  }
0x108: {  	v4 =	vld [tilespmem:s17+$0xC600]  }
0x109: {  	v5 =	vld [tilespmem:s17+$0xC980];
	_ =	sdelay $0x3  }
0x10a: {  	vm0 =	vgt.f32 v3, v4  }
0x10b: {  	s1 =	sadd.s32 $0x10, s1;
	v2 =	vsel vm0, v5, v2  }
.Ltmp10:
0x10c: {  	s21 =	rddreg [dreg:$0x5];
	s15 =	simm.s32 $0xCC00;
	[tilespmem:s1+$0x0] =	vst v2;
	(pc) =	sbr.rel .LBB2_16-.Ltmp10, $4  }
0x10d: {  	[hbm4b:s21+s2] =	stream.linear.scatter [tilespmem:s15], [sflag:$0x4], $0x180, $0x38;
	[tilespmem:$0xCD80] =	vst v63  }
0x10e: {  	_ =	swait.ge [sflag:s0], $0x180  }
0x10f: {  	[sflag:s0] =	ssyncset.done $0x0  }
0x110: {  	[sflag:s0] =	ssyncadd.s32 $0xFFFFFE80  }
.LBB2_17:
0x111: {  	_ =	sfence.sel $0x180000  }
0x112: {  	[bflag:$0x0] =	sbarrier.arrive $0xFFFF  }
0x113: {  	_ =	strace $0x90000047  }
0x114: {  	s0 =	stileid.u32;
	[bflag:$0x2] =	sbarrier.arrive $0xFFFF  }
0x115: {  	p0 =	sne.s32 s0, $0x0;
	s0 =	rddreg [dreg:$0x4]  }
0x116: {  	s0 =	sadd.s32 @!p0 $0x100000, s0  }
0x117: {  	[sflag:s0] =	ssyncadd.tile.s32 @!p0 $0x1;
	_ =	shalt  }
.Lfunc_end2:
_tile_overlayer_lowered:
.L_overlay_start_2:
0x118: {  	(tag) =	ssettag $0x2  }
0x119: {  	s0 =	rddreg [dreg:$0x0];
	s2 =	stileid.u32  }
0x11a: {  	s1 =	rddreg [dreg:$0x1];
	p0 =	sne.s32 s2, $0x0  }
0x11b: {  	s3 =	rddreg [dreg:$0x2];
	[bflag:$0x3] =	sbarrier.arrive $0xFFFF;
	s2 =	simm.s32 @!p0 $0x1C04  }
0x11c: {  	[timem:s3], [sflag:s2] =	dma.local @!p0 [hbm:s0], s1  }
0x11d: {  	s0 =	simm.s32 @!p0 $0x4  }
0x11e: {  	_ =	swait.ge @!p0 [sflag:s0], s1  }
0x11f: {  	s1 =	ssub.s32 @!p0 $0x0, s1;
	[sflag:s0] =	ssyncset.done @!p0 $0x0  }
0x120: {  	[sflag:s0] =	ssyncadd.s32 @!p0 s1  }
0x121: {  	[bflag:$0x3] =	sbarrier.arrive $0xFFFF  }
0x122: {  	_ =	shalt  }

</sc_bundles>
